<compile_context>
chip_gen: v7x
topology: tpu7x:2x2x1
jax: 0.10.2.dev20260603
libtpu: 0.0.44.dev20260713+nightly
codegen_flags: <defaults>
</compile_context>

<pallas_src>
import jax
import jax.numpy as jnp
from jax import lax
from jax.experimental import pallas as pl
from jax.experimental.pallas import tpu as pltpu
from jax.experimental.pallas import tpu_sc as plsc

BATCH = 16384
EMBED_DIM = 2
NUM_WORKERS = 16
BPW = BATCH // NUM_WORKERS
OPW = BPW * EMBED_DIM
L = 16
NCHUNK = 4
CHUNK = BPW // NCHUNK


def _sc_body(idx_hbm, tab_hbm, out_hbm, idx_v, tab_v, out_v, sems):
    s = lax.axis_index("s")
    base = s * BPW
    sem_t, sem_i, sem_o = sems
    cp_tab = pltpu.async_copy(tab_hbm, tab_v, sem_t)
    cp_in = [
        pltpu.async_copy(
            idx_hbm.at[pl.ds(base + q * CHUNK, CHUNK)],
            idx_v.at[pl.ds(q * CHUNK, CHUNK)],
            sem_i[q],
        )
        for q in range(NCHUNK)
    ]

    iota = lax.iota(jnp.int32, L)
    two_iota = iota * 2
    cp_tab.wait()
    t00 = tab_v[0, :]
    t01 = tab_v[1, :]
    t10 = tab_v[2, :]
    t11 = tab_v[3, :]
    t20 = tab_v[4, :]
    t21 = tab_v[5, :]

    cp_out = []
    for q in range(NCHUNK):
        cp_in[q].wait()
        for k in range(q * (CHUNK // L), (q + 1) * (CHUNK // L)):
            idx16 = idx_v[pl.ds(k * L, L)]
            is0 = idx16 == 0
            is1 = idx16 == 1
            g0 = jnp.where(is0, t00, jnp.where(is1, t10, t20))
            g1 = jnp.where(is0, t01, jnp.where(is1, t11, t21))
            plsc.store_scatter(out_v, [two_iota + k * 2 * L], g0)
            plsc.store_scatter(out_v, [two_iota + (k * 2 * L + 1)], g1)
        cp_out.append(
            pltpu.async_copy(
                out_v.at[pl.ds(q * CHUNK * EMBED_DIM, CHUNK * EMBED_DIM)],
                out_hbm.at[
                    pl.ds(
                        base * EMBED_DIM + q * CHUNK * EMBED_DIM,
                        CHUNK * EMBED_DIM,
                    )
                ],
                sem_o[q],
            )
        )
    for cp in cp_out:
        cp.wait()


def kernel(x, emb_table):
    xi = x.astype(jnp.int32)
    tab_rep = jnp.tile(emb_table.reshape(3 * EMBED_DIM, 1), (1, L))
    mesh = plsc.VectorSubcoreMesh(
        core_axis_name="c", subcore_axis_name="s", num_cores=1
    )
    out_flat = pl.kernel(
        _sc_body,
        out_type=jax.ShapeDtypeStruct((BATCH * EMBED_DIM,), jnp.float32),
        mesh=mesh,
        compiler_params=pltpu.CompilerParams(needs_layout_passes=False),
        scratch_types=[
            pltpu.VMEM((BPW,), jnp.int32),
            pltpu.VMEM((3 * EMBED_DIM, L), jnp.float32),
            pltpu.VMEM((OPW,), jnp.float32),
            (
                pltpu.SemaphoreType.DMA,
                [pltpu.SemaphoreType.DMA] * NCHUNK,
                [pltpu.SemaphoreType.DMA] * NCHUNK,
            ),
        ],
    )(xi, tab_rep)
    return out_flat.reshape(BATCH, EMBED_DIM)

# --- scband reference (transcript-rebuilt; emitter-appended) ---
"""Pipeline reference for scband-sub-model-75265006895643 (READ-ONLY COPY).

The authoritative reference and input builder live on the scoring server;
editing this copy changes nothing except your own understanding.
"""

import jax, jax.numpy as jnp
import numpy as np

NUM_EMBEDDINGS = 3
EMBED_DIM = 2
BATCH = 16384

def setup_inputs(seed: int = 0) -> dict:
    key = jax.random.key(seed)
    k_idx, k_tab = jax.random.split(key)
    x = jax.random.randint(k_idx, (BATCH,), 0, NUM_EMBEDDINGS, dtype=jnp.int64) if jax.config.jax_enable_x64 else jax.random.randint(k_idx, (BATCH,), 0, NUM_EMBEDDINGS, dtype=jnp.int32)
    emb_table = jax.random.uniform(k_tab, (NUM_EMBEDDINGS, EMBED_DIM), dtype=jnp.float32)
    return {"x": x, "emb_table": emb_table}

def reference(x, emb_table):
    # SubModel.forward: return self.emb(x) -- a plain embedding lookup (gather)
    return jnp.take(emb_table, x, axis=0)

if __name__ == "__main__":
    import jax
    _d = setup_inputs()
    print(jax.jit(kernel)(*tuple(_d.values())))

</pallas_src>

<mosaic_0001>
#map = affine_map<(d0, d1) -> (0)>
#map1 = affine_map<(d0, d1) -> (0, 0)>
module attributes {stable_mosaic.version = 14 : i64} {
  func.func @_sc_body(%arg0: i32, %arg1: i32, %arg2: memref<16384xi32, #tpu.memory_space<hbm>>, %arg3: memref<6x16xf32, #tpu.memory_space<hbm>>, %arg4: memref<32768xf32, #tpu.memory_space<hbm>>, %arg5: memref<1024xi32, #tpu.memory_space<vmem>>, %arg6: memref<6x16xf32, #tpu.memory_space<vmem>>, %arg7: memref<2048xf32, #tpu.memory_space<vmem>>, %arg8: memref<!tpu.dma_semaphore, #tpu.memory_space<semaphore_mem>>, %arg9: memref<!tpu.dma_semaphore, #tpu.memory_space<semaphore_mem>>, %arg10: memref<!tpu.dma_semaphore, #tpu.memory_space<semaphore_mem>>, %arg11: memref<!tpu.dma_semaphore, #tpu.memory_space<semaphore_mem>>, %arg12: memref<!tpu.dma_semaphore, #tpu.memory_space<semaphore_mem>>, %arg13: memref<!tpu.dma_semaphore, #tpu.memory_space<semaphore_mem>>, %arg14: memref<!tpu.dma_semaphore, #tpu.memory_space<semaphore_mem>>, %arg15: memref<!tpu.dma_semaphore, #tpu.memory_space<semaphore_mem>>, %arg16: memref<!tpu.dma_semaphore, #tpu.memory_space<semaphore_mem>>) attributes {dimension_semantics = [#tpu.dimension_semantics<core_parallel>, #tpu.dimension_semantics<subcore_parallel>], iteration_bounds = array<i64: 1, 16>, scalar_prefetch = 0 : i64, scratch_operands = 12 : i64, tpu.core_type = #tpu.core_type<sc_vector_subcore>, window_params = [{transform_indices = #map}, {transform_indices = #map1}, {transform_indices = #map}]} {
    %mul3A = arith.constant 1024 : i32
    %mul3A_0 = arith.muli %arg1, %mul3A : i32
    tpu.enqueue_dma source(%arg3 : memref<6x16xf32, #tpu.memory_space<hbm>>) target(%arg6 : memref<6x16xf32, #tpu.memory_space<vmem>>) target_semaphore(%arg8 : memref<!tpu.dma_semaphore, #tpu.memory_space<semaphore_mem>>)
    %add3A = arith.constant 0 : i32
    %add3A_1 = arith.addi %mul3A_0, %add3A : i32
    %dma_start3A = arith.constant 0 : i32
    %dma_start3A_2 = tpu.memref_slice %arg5[%dma_start3A] : memref<1024xi32, #tpu.memory_space<vmem>> -> memref<256xi32, #tpu.memory_space<vmem>>
    %dma_start3A_3 = tpu.memref_slice %arg2[%add3A_1] : memref<16384xi32, #tpu.memory_space<hbm>> -> memref<256xi32, #tpu.memory_space<hbm>>
    %dma_start3A_4 = arith.constant 0 : i32
    %dma_start3A_5 = tpu.memref_slice %arg5[%dma_start3A_4] : memref<1024xi32, #tpu.memory_space<vmem>> -> memref<256xi32, #tpu.memory_space<vmem>>
    %dma_start3A_6 = tpu.memref_slice %arg2[%add3A_1] : memref<16384xi32, #tpu.memory_space<hbm>> -> memref<256xi32, #tpu.memory_space<hbm>>
    tpu.enqueue_dma source(%dma_start3A_6 : memref<256xi32, #tpu.memory_space<hbm>>) target(%dma_start3A_5 : memref<256xi32, #tpu.memory_space<vmem>>) target_semaphore(%arg9 : memref<!tpu.dma_semaphore, #tpu.memory_space<semaphore_mem>>)
    %add3A_7 = arith.constant 256 : i32
    %add3A_8 = arith.addi %mul3A_0, %add3A_7 : i32
    %dma_start3A_9 = arith.constant 256 : i32
    %dma_start3A_10 = tpu.memref_slice %arg5[%dma_start3A_9] : memref<1024xi32, #tpu.memory_space<vmem>> -> memref<256xi32, #tpu.memory_space<vmem>>
    %dma_start3A_11 = tpu.memref_slice %arg2[%add3A_8] : memref<16384xi32, #tpu.memory_space<hbm>> -> memref<256xi32, #tpu.memory_space<hbm>>
    %dma_start3A_12 = arith.constant 256 : i32
    %dma_start3A_13 = tpu.memref_slice %arg5[%dma_start3A_12] : memref<1024xi32, #tpu.memory_space<vmem>> -> memref<256xi32, #tpu.memory_space<vmem>>
    %dma_start3A_14 = tpu.memref_slice %arg2[%add3A_8] : memref<16384xi32, #tpu.memory_space<hbm>> -> memref<256xi32, #tpu.memory_space<hbm>>
    tpu.enqueue_dma source(%dma_start3A_14 : memref<256xi32, #tpu.memory_space<hbm>>) target(%dma_start3A_13 : memref<256xi32, #tpu.memory_space<vmem>>) target_semaphore(%arg10 : memref<!tpu.dma_semaphore, #tpu.memory_space<semaphore_mem>>)
    %add3A_15 = arith.constant 512 : i32
    %add3A_16 = arith.addi %mul3A_0, %add3A_15 : i32
    %dma_start3A_17 = arith.constant 512 : i32
    %dma_start3A_18 = tpu.memref_slice %arg5[%dma_start3A_17] : memref<1024xi32, #tpu.memory_space<vmem>> -> memref<256xi32, #tpu.memory_space<vmem>>
    %dma_start3A_19 = tpu.memref_slice %arg2[%add3A_16] : memref<16384xi32, #tpu.memory_space<hbm>> -> memref<256xi32, #tpu.memory_space<hbm>>
    %dma_start3A_20 = arith.constant 512 : i32
    %dma_start3A_21 = tpu.memref_slice %arg5[%dma_start3A_20] : memref<1024xi32, #tpu.memory_space<vmem>> -> memref<256xi32, #tpu.memory_space<vmem>>
    %dma_start3A_22 = tpu.memref_slice %arg2[%add3A_16] : memref<16384xi32, #tpu.memory_space<hbm>> -> memref<256xi32, #tpu.memory_space<hbm>>
    tpu.enqueue_dma source(%dma_start3A_22 : memref<256xi32, #tpu.memory_space<hbm>>) target(%dma_start3A_21 : memref<256xi32, #tpu.memory_space<vmem>>) target_semaphore(%arg11 : memref<!tpu.dma_semaphore, #tpu.memory_space<semaphore_mem>>)
    %add3A_23 = arith.constant 768 : i32
    %add3A_24 = arith.addi %mul3A_0, %add3A_23 : i32
    %dma_start3A_25 = arith.constant 768 : i32
    %dma_start3A_26 = tpu.memref_slice %arg5[%dma_start3A_25] : memref<1024xi32, #tpu.memory_space<vmem>> -> memref<256xi32, #tpu.memory_space<vmem>>
    %dma_start3A_27 = tpu.memref_slice %arg2[%add3A_24] : memref<16384xi32, #tpu.memory_space<hbm>> -> memref<256xi32, #tpu.memory_space<hbm>>
    %dma_start3A_28 = arith.constant 768 : i32
    %dma_start3A_29 = tpu.memref_slice %arg5[%dma_start3A_28] : memref<1024xi32, #tpu.memory_space<vmem>> -> memref<256xi32, #tpu.memory_space<vmem>>
    %dma_start3A_30 = tpu.memref_slice %arg2[%add3A_24] : memref<16384xi32, #tpu.memory_space<hbm>> -> memref<256xi32, #tpu.memory_space<hbm>>
    tpu.enqueue_dma source(%dma_start3A_30 : memref<256xi32, #tpu.memory_space<hbm>>) target(%dma_start3A_29 : memref<256xi32, #tpu.memory_space<vmem>>) target_semaphore(%arg12 : memref<!tpu.dma_semaphore, #tpu.memory_space<semaphore_mem>>)
    %iota3A = tpu.iota {dimensions = array<i32: 0>} : vector<16xi32>
    %mul3A_31 = arith.constant 2 : i32
    %mul3A_32 = vector.broadcast %mul3A_31 : i32 to vector<16xi32>
    %mul3A_33 = arith.muli %iota3A, %mul3A_32 : vector<16xi32>
    tpu.wait_dma2 semaphore(%arg8 : memref<!tpu.dma_semaphore, #tpu.memory_space<semaphore_mem>>) src(%arg3 : memref<6x16xf32, #tpu.memory_space<hbm>>) dst(%arg6 : memref<6x16xf32, #tpu.memory_space<vmem>>)
    %get3A = arith.constant 0 : i32
    %get3A_34 = arith.index_cast %get3A : i32 to index
    %get3A_35 = arith.constant 0 : index
    %get3A_36 = tpu.vector_load %arg6[%get3A_34, %get3A_35] {strides = array<i32>} : memref<6x16xf32, #tpu.memory_space<vmem>>, vector<16xf32>,
    %get3A_37 = arith.constant 1 : i32
    %get3A_38 = arith.index_cast %get3A_37 : i32 to index
    %get3A_39 = arith.constant 0 : index
    %get3A_40 = tpu.vector_load %arg6[%get3A_38, %get3A_39] {strides = array<i32>} : memref<6x16xf32, #tpu.memory_space<vmem>>, vector<16xf32>,
    %get3A_41 = arith.constant 2 : i32
    %get3A_42 = arith.index_cast %get3A_41 : i32 to index
    %get3A_43 = arith.constant 0 : index
    %get3A_44 = tpu.vector_load %arg6[%get3A_42, %get3A_43] {strides = array<i32>} : memref<6x16xf32, #tpu.memory_space<vmem>>, vector<16xf32>,
    %get3A_45 = arith.constant 3 : i32
    %get3A_46 = arith.index_cast %get3A_45 : i32 to index
    %get3A_47 = arith.constant 0 : index
    %get3A_48 = tpu.vector_load %arg6[%get3A_46, %get3A_47] {strides = array<i32>} : memref<6x16xf32, #tpu.memory_space<vmem>>, vector<16xf32>,
    %get3A_49 = arith.constant 4 : i32
    %get3A_50 = arith.index_cast %get3A_49 : i32 to index
    %get3A_51 = arith.constant 0 : index
    %get3A_52 = tpu.vector_load %arg6[%get3A_50, %get3A_51] {strides = array<i32>} : memref<6x16xf32, #tpu.memory_space<vmem>>, vector<16xf32>,
    %get3A_53 = arith.constant 5 : i32
    %get3A_54 = arith.index_cast %get3A_53 : i32 to index
    %get3A_55 = arith.constant 0 : index
    %get3A_56 = tpu.vector_load %arg6[%get3A_54, %get3A_55] {strides = array<i32>} : memref<6x16xf32, #tpu.memory_space<vmem>>, vector<16xf32>,
    %dma_wait3A = arith.constant 0 : i32
    %dma_wait3A_57 = tpu.memref_slice %arg5[%dma_wait3A] : memref<1024xi32, #tpu.memory_space<vmem>> -> memref<256xi32, #tpu.memory_space<vmem>>
    %dma_wait3A_58 = tpu.memref_slice %arg2[%add3A_1] : memref<16384xi32, #tpu.memory_space<hbm>> -> memref<256xi32, #tpu.memory_space<hbm>>
    %dma_wait3A_59 = arith.constant 0 : i32
    %dma_wait3A_60 = tpu.memref_slice %arg5[%dma_wait3A_59] : memref<1024xi32, #tpu.memory_space<vmem>> -> memref<256xi32, #tpu.memory_space<vmem>>
    %dma_wait3A_61 = tpu.memref_slice %arg2[%add3A_1] : memref<16384xi32, #tpu.memory_space<hbm>> -> memref<256xi32, #tpu.memory_space<hbm>>
    tpu.wait_dma2 semaphore(%arg9 : memref<!tpu.dma_semaphore, #tpu.memory_space<semaphore_mem>>) src(%dma_wait3A_61 : memref<256xi32, #tpu.memory_space<hbm>>) dst(%dma_wait3A_60 : memref<256xi32, #tpu.memory_space<vmem>>)
    %get3A_62 = arith.constant 0 : index
    %get3A_63 = tpu.vector_load %arg5[%get3A_62] {strides = array<i32>} : memref<1024xi32, #tpu.memory_space<vmem>>, vector<16xi32>,
    %eq3A = arith.constant 0 : i32
    %eq3A_64 = vector.broadcast %eq3A : i32 to vector<16xi32>
    %eq3A_65 = arith.cmpi eq, %get3A_63, %eq3A_64 : vector<16xi32>
    %eq3A_66 = arith.constant 1 : i32
    %eq3A_67 = vector.broadcast %eq3A_66 : i32 to vector<16xi32>
    %eq3A_68 = arith.cmpi eq, %get3A_63, %eq3A_67 : vector<16xi32>
    %select_n3A = arith.select %eq3A_68, %get3A_44, %get3A_52 : vector<16xi1>, vector<16xf32>
    %select_n3A_69 = arith.select %eq3A_65, %get3A_36, %select_n3A : vector<16xi1>, vector<16xf32>
    %select_n3A_70 = arith.select %eq3A_68, %get3A_48, %get3A_56 : vector<16xi1>, vector<16xf32>
    %select_n3A_71 = arith.select %eq3A_65, %get3A_40, %select_n3A_70 : vector<16xi1>, vector<16xf32>
    %add3A_72 = arith.constant 0 : i32
    %add3A_73 = vector.broadcast %add3A_72 : i32 to vector<16xi32>
    %add3A_74 = arith.addi %mul3A_33, %add3A_73 : vector<16xi32>
    tpu.vector_store_idx %arg7[%add3A_74], %select_n3A_69 : memref<2048xf32, #tpu.memory_space<vmem>>[vector<16xi32>], vector<16xf32>,
    %add3A_75 = arith.constant 1 : i32
    %add3A_76 = vector.broadcast %add3A_75 : i32 to vector<16xi32>
    %add3A_77 = arith.addi %mul3A_33, %add3A_76 : vector<16xi32>
    tpu.vector_store_idx %arg7[%add3A_77], %select_n3A_71 : memref<2048xf32, #tpu.memory_space<vmem>>[vector<16xi32>], vector<16xf32>,
    %get3A_78 = arith.constant 16 : index
    %get3A_79 = tpu.vector_load %arg5[%get3A_78] {strides = array<i32>} : memref<1024xi32, #tpu.memory_space<vmem>>, vector<16xi32>,
    %eq3A_80 = arith.constant 0 : i32
    %eq3A_81 = vector.broadcast %eq3A_80 : i32 to vector<16xi32>
    %eq3A_82 = arith.cmpi eq, %get3A_79, %eq3A_81 : vector<16xi32>
    %eq3A_83 = arith.constant 1 : i32
    %eq3A_84 = vector.broadcast %eq3A_83 : i32 to vector<16xi32>
    %eq3A_85 = arith.cmpi eq, %get3A_79, %eq3A_84 : vector<16xi32>
    %select_n3A_86 = arith.select %eq3A_85, %get3A_44, %get3A_52 : vector<16xi1>, vector<16xf32>
    %select_n3A_87 = arith.select %eq3A_82, %get3A_36, %select_n3A_86 : vector<16xi1>, vector<16xf32>
    %select_n3A_88 = arith.select %eq3A_85, %get3A_48, %get3A_56 : vector<16xi1>, vector<16xf32>
    %select_n3A_89 = arith.select %eq3A_82, %get3A_40, %select_n3A_88 : vector<16xi1>, vector<16xf32>
    %add3A_90 = arith.constant 32 : i32
    %add3A_91 = vector.broadcast %add3A_90 : i32 to vector<16xi32>
    %add3A_92 = arith.addi %mul3A_33, %add3A_91 : vector<16xi32>
    tpu.vector_store_idx %arg7[%add3A_92], %select_n3A_87 : memref<2048xf32, #tpu.memory_space<vmem>>[vector<16xi32>], vector<16xf32>,
    %add3A_93 = arith.constant 33 : i32
    %add3A_94 = vector.broadcast %add3A_93 : i32 to vector<16xi32>
    %add3A_95 = arith.addi %mul3A_33, %add3A_94 : vector<16xi32>
    tpu.vector_store_idx %arg7[%add3A_95], %select_n3A_89 : memref<2048xf32, #tpu.memory_space<vmem>>[vector<16xi32>], vector<16xf32>,
    %get3A_96 = arith.constant 32 : index
    %get3A_97 = tpu.vector_load %arg5[%get3A_96] {strides = array<i32>} : memref<1024xi32, #tpu.memory_space<vmem>>, vector<16xi32>,
    %eq3A_98 = arith.constant 0 : i32
    %eq3A_99 = vector.broadcast %eq3A_98 : i32 to vector<16xi32>
    %eq3A_100 = arith.cmpi eq, %get3A_97, %eq3A_99 : vector<16xi32>
    %eq3A_101 = arith.constant 1 : i32
    %eq3A_102 = vector.broadcast %eq3A_101 : i32 to vector<16xi32>
    %eq3A_103 = arith.cmpi eq, %get3A_97, %eq3A_102 : vector<16xi32>
    %select_n3A_104 = arith.select %eq3A_103, %get3A_44, %get3A_52 : vector<16xi1>, vector<16xf32>
    %select_n3A_105 = arith.select %eq3A_100, %get3A_36, %select_n3A_104 : vector<16xi1>, vector<16xf32>
    %select_n3A_106 = arith.select %eq3A_103, %get3A_48, %get3A_56 : vector<16xi1>, vector<16xf32>
    %select_n3A_107 = arith.select %eq3A_100, %get3A_40, %select_n3A_106 : vector<16xi1>, vector<16xf32>
    %add3A_108 = arith.constant 64 : i32
    %add3A_109 = vector.broadcast %add3A_108 : i32 to vector<16xi32>
    %add3A_110 = arith.addi %mul3A_33, %add3A_109 : vector<16xi32>
    tpu.vector_store_idx %arg7[%add3A_110], %select_n3A_105 : memref<2048xf32, #tpu.memory_space<vmem>>[vector<16xi32>], vector<16xf32>,
    %add3A_111 = arith.constant 65 : i32
    %add3A_112 = vector.broadcast %add3A_111 : i32 to vector<16xi32>
    %add3A_113 = arith.addi %mul3A_33, %add3A_112 : vector<16xi32>
    tpu.vector_store_idx %arg7[%add3A_113], %select_n3A_107 : memref<2048xf32, #tpu.memory_space<vmem>>[vector<16xi32>], vector<16xf32>,
    %get3A_114 = arith.constant 48 : index
    %get3A_115 = tpu.vector_load %arg5[%get3A_114] {strides = array<i32>} : memref<1024xi32, #tpu.memory_space<vmem>>, vector<16xi32>,
    %eq3A_116 = arith.constant 0 : i32
    %eq3A_117 = vector.broadcast %eq3A_116 : i32 to vector<16xi32>
    %eq3A_118 = arith.cmpi eq, %get3A_115, %eq3A_117 : vector<16xi32>
    %eq3A_119 = arith.constant 1 : i32
    %eq3A_120 = vector.broadcast %eq3A_119 : i32 to vector<16xi32>
    %eq3A_121 = arith.cmpi eq, %get3A_115, %eq3A_120 : vector<16xi32>
    %select_n3A_122 = arith.select %eq3A_121, %get3A_44, %get3A_52 : vector<16xi1>, vector<16xf32>
    %select_n3A_123 = arith.select %eq3A_118, %get3A_36, %select_n3A_122 : vector<16xi1>, vector<16xf32>
    %select_n3A_124 = arith.select %eq3A_121, %get3A_48, %get3A_56 : vector<16xi1>, vector<16xf32>
    %select_n3A_125 = arith.select %eq3A_118, %get3A_40, %select_n3A_124 : vector<16xi1>, vector<16xf32>
    %add3A_126 = arith.constant 96 : i32
    %add3A_127 = vector.broadcast %add3A_126 : i32 to vector<16xi32>
    %add3A_128 = arith.addi %mul3A_33, %add3A_127 : vector<16xi32>
    tpu.vector_store_idx %arg7[%add3A_128], %select_n3A_123 : memref<2048xf32, #tpu.memory_space<vmem>>[vector<16xi32>], vector<16xf32>,
    %add3A_129 = arith.constant 97 : i32
    %add3A_130 = vector.broadcast %add3A_129 : i32 to vector<16xi32>
    %add3A_131 = arith.addi %mul3A_33, %add3A_130 : vector<16xi32>
    tpu.vector_store_idx %arg7[%add3A_131], %select_n3A_125 : memref<2048xf32, #tpu.memory_space<vmem>>[vector<16xi32>], vector<16xf32>,
    %get3A_132 = arith.constant 64 : index
    %get3A_133 = tpu.vector_load %arg5[%get3A_132] {strides = array<i32>} : memref<1024xi32, #tpu.memory_space<vmem>>, vector<16xi32>,
    %eq3A_134 = arith.constant 0 : i32
    %eq3A_135 = vector.broadcast %eq3A_134 : i32 to vector<16xi32>
    %eq3A_136 = arith.cmpi eq, %get3A_133, %eq3A_135 : vector<16xi32>
    %eq3A_137 = arith.constant 1 : i32
    %eq3A_138 = vector.broadcast %eq3A_137 : i32 to vector<16xi32>
    %eq3A_139 = arith.cmpi eq, %get3A_133, %eq3A_138 : vector<16xi32>
    %select_n3A_140 = arith.select %eq3A_139, %get3A_44, %get3A_52 : vector<16xi1>, vector<16xf32>
    %select_n3A_141 = arith.select %eq3A_136, %get3A_36, %select_n3A_140 : vector<16xi1>, vector<16xf32>
    %select_n3A_142 = arith.select %eq3A_139, %get3A_48, %get3A_56 : vector<16xi1>, vector<16xf32>
    %select_n3A_143 = arith.select %eq3A_136, %get3A_40, %select_n3A_142 : vector<16xi1>, vector<16xf32>
    %add3A_144 = arith.constant 128 : i32
    %add3A_145 = vector.broadcast %add3A_144 : i32 to vector<16xi32>
    %add3A_146 = arith.addi %mul3A_33, %add3A_145 : vector<16xi32>
    tpu.vector_store_idx %arg7[%add3A_146], %select_n3A_141 : memref<2048xf32, #tpu.memory_space<vmem>>[vector<16xi32>], vector<16xf32>,
    %add3A_147 = arith.constant 129 : i32
    %add3A_148 = vector.broadcast %add3A_147 : i32 to vector<16xi32>
    %add3A_149 = arith.addi %mul3A_33, %add3A_148 : vector<16xi32>
    tpu.vector_store_idx %arg7[%add3A_149], %select_n3A_143 : memref<2048xf32, #tpu.memory_space<vmem>>[vector<16xi32>], vector<16xf32>,
    %get3A_150 = arith.constant 80 : index
    %get3A_151 = tpu.vector_load %arg5[%get3A_150] {strides = array<i32>} : memref<1024xi32, #tpu.memory_space<vmem>>, vector<16xi32>,
    %eq3A_152 = arith.constant 0 : i32
    %eq3A_153 = vector.broadcast %eq3A_152 : i32 to vector<16xi32>
    %eq3A_154 = arith.cmpi eq, %get3A_151, %eq3A_153 : vector<16xi32>
    %eq3A_155 = arith.constant 1 : i32
    %eq3A_156 = vector.broadcast %eq3A_155 : i32 to vector<16xi32>
    %eq3A_157 = arith.cmpi eq, %get3A_151, %eq3A_156 : vector<16xi32>
    %select_n3A_158 = arith.select %eq3A_157, %get3A_44, %get3A_52 : vector<16xi1>, vector<16xf32>
    %select_n3A_159 = arith.select %eq3A_154, %get3A_36, %select_n3A_158 : vector<16xi1>, vector<16xf32>
    %select_n3A_160 = arith.select %eq3A_157, %get3A_48, %get3A_56 : vector<16xi1>, vector<16xf32>
    %select_n3A_161 = arith.select %eq3A_154, %get3A_40, %select_n3A_160 : vector<16xi1>, vector<16xf32>
    %add3A_162 = arith.constant 160 : i32
    %add3A_163 = vector.broadcast %add3A_162 : i32 to vector<16xi32>
    %add3A_164 = arith.addi %mul3A_33, %add3A_163 : vector<16xi32>
    tpu.vector_store_idx %arg7[%add3A_164], %select_n3A_159 : memref<2048xf32, #tpu.memory_space<vmem>>[vector<16xi32>], vector<16xf32>,
    %add3A_165 = arith.constant 161 : i32
    %add3A_166 = vector.broadcast %add3A_165 : i32 to vector<16xi32>
    %add3A_167 = arith.addi %mul3A_33, %add3A_166 : vector<16xi32>
    tpu.vector_store_idx %arg7[%add3A_167], %select_n3A_161 : memref<2048xf32, #tpu.memory_space<vmem>>[vector<16xi32>], vector<16xf32>,
    %get3A_168 = arith.constant 96 : index
    %get3A_169 = tpu.vector_load %arg5[%get3A_168] {strides = array<i32>} : memref<1024xi32, #tpu.memory_space<vmem>>, vector<16xi32>,
    %eq3A_170 = arith.constant 0 : i32
    %eq3A_171 = vector.broadcast %eq3A_170 : i32 to vector<16xi32>
    %eq3A_172 = arith.cmpi eq, %get3A_169, %eq3A_171 : vector<16xi32>
    %eq3A_173 = arith.constant 1 : i32
    %eq3A_174 = vector.broadcast %eq3A_173 : i32 to vector<16xi32>
    %eq3A_175 = arith.cmpi eq, %get3A_169, %eq3A_174 : vector<16xi32>
    %select_n3A_176 = arith.select %eq3A_175, %get3A_44, %get3A_52 : vector<16xi1>, vector<16xf32>
    %select_n3A_177 = arith.select %eq3A_172, %get3A_36, %select_n3A_176 : vector<16xi1>, vector<16xf32>
    %select_n3A_178 = arith.select %eq3A_175, %get3A_48, %get3A_56 : vector<16xi1>, vector<16xf32>
    %select_n3A_179 = arith.select %eq3A_172, %get3A_40, %select_n3A_178 : vector<16xi1>, vector<16xf32>
    %add3A_180 = arith.constant 192 : i32
    %add3A_181 = vector.broadcast %add3A_180 : i32 to vector<16xi32>
    %add3A_182 = arith.addi %mul3A_33, %add3A_181 : vector<16xi32>
    tpu.vector_store_idx %arg7[%add3A_182], %select_n3A_177 : memref<2048xf32, #tpu.memory_space<vmem>>[vector<16xi32>], vector<16xf32>,
    %add3A_183 = arith.constant 193 : i32
    %add3A_184 = vector.broadcast %add3A_183 : i32 to vector<16xi32>
    %add3A_185 = arith.addi %mul3A_33, %add3A_184 : vector<16xi32>
    tpu.vector_store_idx %arg7[%add3A_185], %select_n3A_179 : memref<2048xf32, #tpu.memory_space<vmem>>[vector<16xi32>], vector<16xf32>,
    %get3A_186 = arith.constant 112 : index
    %get3A_187 = tpu.vector_load %arg5[%get3A_186] {strides = array<i32>} : memref<1024xi32, #tpu.memory_space<vmem>>, vector<16xi32>,
    %eq3A_188 = arith.constant 0 : i32
    %eq3A_189 = vector.broadcast %eq3A_188 : i32 to vector<16xi32>
    %eq3A_190 = arith.cmpi eq, %get3A_187, %eq3A_189 : vector<16xi32>
    %eq3A_191 = arith.constant 1 : i32
    %eq3A_192 = vector.broadcast %eq3A_191 : i32 to vector<16xi32>
    %eq3A_193 = arith.cmpi eq, %get3A_187, %eq3A_192 : vector<16xi32>
    %select_n3A_194 = arith.select %eq3A_193, %get3A_44, %get3A_52 : vector<16xi1>, vector<16xf32>
    %select_n3A_195 = arith.select %eq3A_190, %get3A_36, %select_n3A_194 : vector<16xi1>, vector<16xf32>
    %select_n3A_196 = arith.select %eq3A_193, %get3A_48, %get3A_56 : vector<16xi1>, vector<16xf32>
    %select_n3A_197 = arith.select %eq3A_190, %get3A_40, %select_n3A_196 : vector<16xi1>, vector<16xf32>
    %add3A_198 = arith.constant 224 : i32
    %add3A_199 = vector.broadcast %add3A_198 : i32 to vector<16xi32>
    %add3A_200 = arith.addi %mul3A_33, %add3A_199 : vector<16xi32>
    tpu.vector_store_idx %arg7[%add3A_200], %select_n3A_195 : memref<2048xf32, #tpu.memory_space<vmem>>[vector<16xi32>], vector<16xf32>,
    %add3A_201 = arith.constant 225 : i32
    %add3A_202 = vector.broadcast %add3A_201 : i32 to vector<16xi32>
    %add3A_203 = arith.addi %mul3A_33, %add3A_202 : vector<16xi32>
    tpu.vector_store_idx %arg7[%add3A_203], %select_n3A_197 : memref<2048xf32, #tpu.memory_space<vmem>>[vector<16xi32>], vector<16xf32>,
    %get3A_204 = arith.constant 128 : index
    %get3A_205 = tpu.vector_load %arg5[%get3A_204] {strides = array<i32>} : memref<1024xi32, #tpu.memory_space<vmem>>, vector<16xi32>,
    %eq3A_206 = arith.constant 0 : i32
    %eq3A_207 = vector.broadcast %eq3A_206 : i32 to vector<16xi32>
    %eq3A_208 = arith.cmpi eq, %get3A_205, %eq3A_207 : vector<16xi32>
    %eq3A_209 = arith.constant 1 : i32
    %eq3A_210 = vector.broadcast %eq3A_209 : i32 to vector<16xi32>
    %eq3A_211 = arith.cmpi eq, %get3A_205, %eq3A_210 : vector<16xi32>
    %select_n3A_212 = arith.select %eq3A_211, %get3A_44, %get3A_52 : vector<16xi1>, vector<16xf32>
    %select_n3A_213 = arith.select %eq3A_208, %get3A_36, %select_n3A_212 : vector<16xi1>, vector<16xf32>
    %select_n3A_214 = arith.select %eq3A_211, %get3A_48, %get3A_56 : vector<16xi1>, vector<16xf32>
    %select_n3A_215 = arith.select %eq3A_208, %get3A_40, %select_n3A_214 : vector<16xi1>, vector<16xf32>
    %add3A_216 = arith.constant 256 : i32
    %add3A_217 = vector.broadcast %add3A_216 : i32 to vector<16xi32>
    %add3A_218 = arith.addi %mul3A_33, %add3A_217 : vector<16xi32>
    tpu.vector_store_idx %arg7[%add3A_218], %select_n3A_213 : memref<2048xf32, #tpu.memory_space<vmem>>[vector<16xi32>], vector<16xf32>,
    %add3A_219 = arith.constant 257 : i32
    %add3A_220 = vector.broadcast %add3A_219 : i32 to vector<16xi32>
    %add3A_221 = arith.addi %mul3A_33, %add3A_220 : vector<16xi32>
    tpu.vector_store_idx %arg7[%add3A_221], %select_n3A_215 : memref<2048xf32, #tpu.memory_space<vmem>>[vector<16xi32>], vector<16xf32>,
    %get3A_222 = arith.constant 144 : index
    %get3A_223 = tpu.vector_load %arg5[%get3A_222] {strides = array<i32>} : memref<1024xi32, #tpu.memory_space<vmem>>, vector<16xi32>,
    %eq3A_224 = arith.constant 0 : i32
    %eq3A_225 = vector.broadcast %eq3A_224 : i32 to vector<16xi32>
    %eq3A_226 = arith.cmpi eq, %get3A_223, %eq3A_225 : vector<16xi32>
    %eq3A_227 = arith.constant 1 : i32
    %eq3A_228 = vector.broadcast %eq3A_227 : i32 to vector<16xi32>
    %eq3A_229 = arith.cmpi eq, %get3A_223, %eq3A_228 : vector<16xi32>
    %select_n3A_230 = arith.select %eq3A_229, %get3A_44, %get3A_52 : vector<16xi1>, vector<16xf32>
    %select_n3A_231 = arith.select %eq3A_226, %get3A_36, %select_n3A_230 : vector<16xi1>, vector<16xf32>
    %select_n3A_232 = arith.select %eq3A_229, %get3A_48, %get3A_56 : vector<16xi1>, vector<16xf32>
    %select_n3A_233 = arith.select %eq3A_226, %get3A_40, %select_n3A_232 : vector<16xi1>, vector<16xf32>
    %add3A_234 = arith.constant 288 : i32
    %add3A_235 = vector.broadcast %add3A_234 : i32 to vector<16xi32>
    %add3A_236 = arith.addi %mul3A_33, %add3A_235 : vector<16xi32>
    tpu.vector_store_idx %arg7[%add3A_236], %select_n3A_231 : memref<2048xf32, #tpu.memory_space<vmem>>[vector<16xi32>], vector<16xf32>,
    %add3A_237 = arith.constant 289 : i32
    %add3A_238 = vector.broadcast %add3A_237 : i32 to vector<16xi32>
    %add3A_239 = arith.addi %mul3A_33, %add3A_238 : vector<16xi32>
    tpu.vector_store_idx %arg7[%add3A_239], %select_n3A_233 : memref<2048xf32, #tpu.memory_space<vmem>>[vector<16xi32>], vector<16xf32>,
    %get3A_240 = arith.constant 160 : index
    %get3A_241 = tpu.vector_load %arg5[%get3A_240] {strides = array<i32>} : memref<1024xi32, #tpu.memory_space<vmem>>, vector<16xi32>,
    %eq3A_242 = arith.constant 0 : i32
    %eq3A_243 = vector.broadcast %eq3A_242 : i32 to vector<16xi32>
    %eq3A_244 = arith.cmpi eq, %get3A_241, %eq3A_243 : vector<16xi32>
    %eq3A_245 = arith.constant 1 : i32
    %eq3A_246 = vector.broadcast %eq3A_245 : i32 to vector<16xi32>
    %eq3A_247 = arith.cmpi eq, %get3A_241, %eq3A_246 : vector<16xi32>
    %select_n3A_248 = arith.select %eq3A_247, %get3A_44, %get3A_52 : vector<16xi1>, vector<16xf32>
    %select_n3A_249 = arith.select %eq3A_244, %get3A_36, %select_n3A_248 : vector<16xi1>, vector<16xf32>
    %select_n3A_250 = arith.select %eq3A_247, %get3A_48, %get3A_56 : vector<16xi1>, vector<16xf32>
    %select_n3A_251 = arith.select %eq3A_244, %get3A_40, %select_n3A_250 : vector<16xi1>, vector<16xf32>
    %add3A_252 = arith.constant 320 : i32
    %add3A_253 = vector.broadcast %add3A_252 : i32 to vector<16xi32>
    %add3A_254 = arith.addi %mul3A_33, %add3A_253 : vector<16xi32>
    tpu.vector_store_idx %arg7[%add3A_254], %select_n3A_249 : memref<2048xf32, #tpu.memory_space<vmem>>[vector<16xi32>], vector<16xf32>,
    %add3A_255 = arith.constant 321 : i32
    %add3A_256 = vector.broadcast %add3A_255 : i32 to vector<16xi32>
    %add3A_257 = arith.addi %mul3A_33, %add3A_256 : vector<16xi32>
    tpu.vector_store_idx %arg7[%add3A_257], %select_n3A_251 : memref<2048xf32, #tpu.memory_space<vmem>>[vector<16xi32>], vector<16xf32>,
    %get3A_258 = arith.constant 176 : index
    %get3A_259 = tpu.vector_load %arg5[%get3A_258] {strides = array<i32>} : memref<1024xi32, #tpu.memory_space<vmem>>, vector<16xi32>,
    %eq3A_260 = arith.constant 0 : i32
    %eq3A_261 = vector.broadcast %eq3A_260 : i32 to vector<16xi32>
    %eq3A_262 = arith.cmpi eq, %get3A_259, %eq3A_261 : vector<16xi32>
    %eq3A_263 = arith.constant 1 : i32
    %eq3A_264 = vector.broadcast %eq3A_263 : i32 to vector<16xi32>
    %eq3A_265 = arith.cmpi eq, %get3A_259, %eq3A_264 : vector<16xi32>
    %select_n3A_266 = arith.select %eq3A_265, %get3A_44, %get3A_52 : vector<16xi1>, vector<16xf32>
    %select_n3A_267 = arith.select %eq3A_262, %get3A_36, %select_n3A_266 : vector<16xi1>, vector<16xf32>
    %select_n3A_268 = arith.select %eq3A_265, %get3A_48, %get3A_56 : vector<16xi1>, vector<16xf32>
    %select_n3A_269 = arith.select %eq3A_262, %get3A_40, %select_n3A_268 : vector<16xi1>, vector<16xf32>
    %add3A_270 = arith.constant 352 : i32
    %add3A_271 = vector.broadcast %add3A_270 : i32 to vector<16xi32>
    %add3A_272 = arith.addi %mul3A_33, %add3A_271 : vector<16xi32>
    tpu.vector_store_idx %arg7[%add3A_272], %select_n3A_267 : memref<2048xf32, #tpu.memory_space<vmem>>[vector<16xi32>], vector<16xf32>,
    %add3A_273 = arith.constant 353 : i32
    %add3A_274 = vector.broadcast %add3A_273 : i32 to vector<16xi32>
    %add3A_275 = arith.addi %mul3A_33, %add3A_274 : vector<16xi32>
    tpu.vector_store_idx %arg7[%add3A_275], %select_n3A_269 : memref<2048xf32, #tpu.memory_space<vmem>>[vector<16xi32>], vector<16xf32>,
    %get3A_276 = arith.constant 192 : index
    %get3A_277 = tpu.vector_load %arg5[%get3A_276] {strides = array<i32>} : memref<1024xi32, #tpu.memory_space<vmem>>, vector<16xi32>,
    %eq3A_278 = arith.constant 0 : i32
    %eq3A_279 = vector.broadcast %eq3A_278 : i32 to vector<16xi32>
    %eq3A_280 = arith.cmpi eq, %get3A_277, %eq3A_279 : vector<16xi32>
    %eq3A_281 = arith.constant 1 : i32
    %eq3A_282 = vector.broadcast %eq3A_281 : i32 to vector<16xi32>
    %eq3A_283 = arith.cmpi eq, %get3A_277, %eq3A_282 : vector<16xi32>
    %select_n3A_284 = arith.select %eq3A_283, %get3A_44, %get3A_52 : vector<16xi1>, vector<16xf32>
    %select_n3A_285 = arith.select %eq3A_280, %get3A_36, %select_n3A_284 : vector<16xi1>, vector<16xf32>
    %select_n3A_286 = arith.select %eq3A_283, %get3A_48, %get3A_56 : vector<16xi1>, vector<16xf32>
    %select_n3A_287 = arith.select %eq3A_280, %get3A_40, %select_n3A_286 : vector<16xi1>, vector<16xf32>
    %add3A_288 = arith.constant 384 : i32
    %add3A_289 = vector.broadcast %add3A_288 : i32 to vector<16xi32>
    %add3A_290 = arith.addi %mul3A_33, %add3A_289 : vector<16xi32>
    tpu.vector_store_idx %arg7[%add3A_290], %select_n3A_285 : memref<2048xf32, #tpu.memory_space<vmem>>[vector<16xi32>], vector<16xf32>,
    %add3A_291 = arith.constant 385 : i32
    %add3A_292 = vector.broadcast %add3A_291 : i32 to vector<16xi32>
    %add3A_293 = arith.addi %mul3A_33, %add3A_292 : vector<16xi32>
    tpu.vector_store_idx %arg7[%add3A_293], %select_n3A_287 : memref<2048xf32, #tpu.memory_space<vmem>>[vector<16xi32>], vector<16xf32>,
    %get3A_294 = arith.constant 208 : index
    %get3A_295 = tpu.vector_load %arg5[%get3A_294] {strides = array<i32>} : memref<1024xi32, #tpu.memory_space<vmem>>, vector<16xi32>,
    %eq3A_296 = arith.constant 0 : i32
    %eq3A_297 = vector.broadcast %eq3A_296 : i32 to vector<16xi32>
    %eq3A_298 = arith.cmpi eq, %get3A_295, %eq3A_297 : vector<16xi32>
    %eq3A_299 = arith.constant 1 : i32
    %eq3A_300 = vector.broadcast %eq3A_299 : i32 to vector<16xi32>
    %eq3A_301 = arith.cmpi eq, %get3A_295, %eq3A_300 : vector<16xi32>
    %select_n3A_302 = arith.select %eq3A_301, %get3A_44, %get3A_52 : vector<16xi1>, vector<16xf32>
    %select_n3A_303 = arith.select %eq3A_298, %get3A_36, %select_n3A_302 : vector<16xi1>, vector<16xf32>
    %select_n3A_304 = arith.select %eq3A_301, %get3A_48, %get3A_56 : vector<16xi1>, vector<16xf32>
    %select_n3A_305 = arith.select %eq3A_298, %get3A_40, %select_n3A_304 : vector<16xi1>, vector<16xf32>
    %add3A_306 = arith.constant 416 : i32
    %add3A_307 = vector.broadcast %add3A_306 : i32 to vector<16xi32>
    %add3A_308 = arith.addi %mul3A_33, %add3A_307 : vector<16xi32>
    tpu.vector_store_idx %arg7[%add3A_308], %select_n3A_303 : memref<2048xf32, #tpu.memory_space<vmem>>[vector<16xi32>], vector<16xf32>,
    %add3A_309 = arith.constant 417 : i32
    %add3A_310 = vector.broadcast %add3A_309 : i32 to vector<16xi32>
    %add3A_311 = arith.addi %mul3A_33, %add3A_310 : vector<16xi32>
    tpu.vector_store_idx %arg7[%add3A_311], %select_n3A_305 : memref<2048xf32, #tpu.memory_space<vmem>>[vector<16xi32>], vector<16xf32>,
    %get3A_312 = arith.constant 224 : index
    %get3A_313 = tpu.vector_load %arg5[%get3A_312] {strides = array<i32>} : memref<1024xi32, #tpu.memory_space<vmem>>, vector<16xi32>,
    %eq3A_314 = arith.constant 0 : i32
    %eq3A_315 = vector.broadcast %eq3A_314 : i32 to vector<16xi32>
    %eq3A_316 = arith.cmpi eq, %get3A_313, %eq3A_315 : vector<16xi32>
    %eq3A_317 = arith.constant 1 : i32
    %eq3A_318 = vector.broadcast %eq3A_317 : i32 to vector<16xi32>
    %eq3A_319 = arith.cmpi eq, %get3A_313, %eq3A_318 : vector<16xi32>
    %select_n3A_320 = arith.select %eq3A_319, %get3A_44, %get3A_52 : vector<16xi1>, vector<16xf32>
    %select_n3A_321 = arith.select %eq3A_316, %get3A_36, %select_n3A_320 : vector<16xi1>, vector<16xf32>
    %select_n3A_322 = arith.select %eq3A_319, %get3A_48, %get3A_56 : vector<16xi1>, vector<16xf32>
    %select_n3A_323 = arith.select %eq3A_316, %get3A_40, %select_n3A_322 : vector<16xi1>, vector<16xf32>
    %add3A_324 = arith.constant 448 : i32
    %add3A_325 = vector.broadcast %add3A_324 : i32 to vector<16xi32>
    %add3A_326 = arith.addi %mul3A_33, %add3A_325 : vector<16xi32>
    tpu.vector_store_idx %arg7[%add3A_326], %select_n3A_321 : memref<2048xf32, #tpu.memory_space<vmem>>[vector<16xi32>], vector<16xf32>,
    %add3A_327 = arith.constant 449 : i32
    %add3A_328 = vector.broadcast %add3A_327 : i32 to vector<16xi32>
    %add3A_329 = arith.addi %mul3A_33, %add3A_328 : vector<16xi32>
    tpu.vector_store_idx %arg7[%add3A_329], %select_n3A_323 : memref<2048xf32, #tpu.memory_space<vmem>>[vector<16xi32>], vector<16xf32>,
    %get3A_330 = arith.constant 240 : index
    %get3A_331 = tpu.vector_load %arg5[%get3A_330] {strides = array<i32>} : memref<1024xi32, #tpu.memory_space<vmem>>, vector<16xi32>,
    %eq3A_332 = arith.constant 0 : i32
    %eq3A_333 = vector.broadcast %eq3A_332 : i32 to vector<16xi32>
    %eq3A_334 = arith.cmpi eq, %get3A_331, %eq3A_333 : vector<16xi32>
    %eq3A_335 = arith.constant 1 : i32
    %eq3A_336 = vector.broadcast %eq3A_335 : i32 to vector<16xi32>
    %eq3A_337 = arith.cmpi eq, %get3A_331, %eq3A_336 : vector<16xi32>
    %select_n3A_338 = arith.select %eq3A_337, %get3A_44, %get3A_52 : vector<16xi1>, vector<16xf32>
    %select_n3A_339 = arith.select %eq3A_334, %get3A_36, %select_n3A_338 : vector<16xi1>, vector<16xf32>
    %select_n3A_340 = arith.select %eq3A_337, %get3A_48, %get3A_56 : vector<16xi1>, vector<16xf32>
    %select_n3A_341 = arith.select %eq3A_334, %get3A_40, %select_n3A_340 : vector<16xi1>, vector<16xf32>
    %add3A_342 = arith.constant 480 : i32
    %add3A_343 = vector.broadcast %add3A_342 : i32 to vector<16xi32>
    %add3A_344 = arith.addi %mul3A_33, %add3A_343 : vector<16xi32>
    tpu.vector_store_idx %arg7[%add3A_344], %select_n3A_339 : memref<2048xf32, #tpu.memory_space<vmem>>[vector<16xi32>], vector<16xf32>,
    %add3A_345 = arith.constant 481 : i32
    %add3A_346 = vector.broadcast %add3A_345 : i32 to vector<16xi32>
    %add3A_347 = arith.addi %mul3A_33, %add3A_346 : vector<16xi32>
    tpu.vector_store_idx %arg7[%add3A_347], %select_n3A_341 : memref<2048xf32, #tpu.memory_space<vmem>>[vector<16xi32>], vector<16xf32>,
    %mul3A_348 = arith.constant 2 : i32
    %mul3A_349 = arith.muli %mul3A_0, %mul3A_348 : i32
    %add3A_350 = arith.constant 0 : i32
    %add3A_351 = arith.addi %mul3A_349, %add3A_350 : i32
    %dma_start3A_352 = arith.constant 0 : i32
    %dma_start3A_353 = tpu.memref_slice %arg7[%dma_start3A_352] : memref<2048xf32, #tpu.memory_space<vmem>> -> memref<512xf32, #tpu.memory_space<vmem>>
    %dma_start3A_354 = tpu.memref_slice %arg4[%add3A_351] : memref<32768xf32, #tpu.memory_space<hbm>> -> memref<512xf32, #tpu.memory_space<hbm>>
    %dma_start3A_355 = tpu.memref_slice %arg4[%add3A_351] : memref<32768xf32, #tpu.memory_space<hbm>> -> memref<512xf32, #tpu.memory_space<hbm>>
    %dma_start3A_356 = arith.constant 0 : i32
    %dma_start3A_357 = tpu.memref_slice %arg7[%dma_start3A_356] : memref<2048xf32, #tpu.memory_space<vmem>> -> memref<512xf32, #tpu.memory_space<vmem>>
    tpu.enqueue_dma source(%dma_start3A_357 : memref<512xf32, #tpu.memory_space<vmem>>) target(%dma_start3A_355 : memref<512xf32, #tpu.memory_space<hbm>>) target_semaphore(%arg13 : memref<!tpu.dma_semaphore, #tpu.memory_space<semaphore_mem>>)
    %dma_wait3A_358 = arith.constant 256 : i32
    %dma_wait3A_359 = tpu.memref_slice %arg5[%dma_wait3A_358] : memref<1024xi32, #tpu.memory_space<vmem>> -> memref<256xi32, #tpu.memory_space<vmem>>
    %dma_wait3A_360 = tpu.memref_slice %arg2[%add3A_8] : memref<16384xi32, #tpu.memory_space<hbm>> -> memref<256xi32, #tpu.memory_space<hbm>>
    %dma_wait3A_361 = arith.constant 256 : i32
    %dma_wait3A_362 = tpu.memref_slice %arg5[%dma_wait3A_361] : memref<1024xi32, #tpu.memory_space<vmem>> -> memref<256xi32, #tpu.memory_space<vmem>>
    %dma_wait3A_363 = tpu.memref_slice %arg2[%add3A_8] : memref<16384xi32, #tpu.memory_space<hbm>> -> memref<256xi32, #tpu.memory_space<hbm>>
    tpu.wait_dma2 semaphore(%arg10 : memref<!tpu.dma_semaphore, #tpu.memory_space<semaphore_mem>>) src(%dma_wait3A_363 : memref<256xi32, #tpu.memory_space<hbm>>) dst(%dma_wait3A_362 : memref<256xi32, #tpu.memory_space<vmem>>)
    %get3A_364 = arith.constant 256 : index
    %get3A_365 = tpu.vector_load %arg5[%get3A_364] {strides = array<i32>} : memref<1024xi32, #tpu.memory_space<vmem>>, vector<16xi32>,
    %eq3A_366 = arith.constant 0 : i32
    %eq3A_367 = vector.broadcast %eq3A_366 : i32 to vector<16xi32>
    %eq3A_368 = arith.cmpi eq, %get3A_365, %eq3A_367 : vector<16xi32>
    %eq3A_369 = arith.constant 1 : i32
    %eq3A_370 = vector.broadcast %eq3A_369 : i32 to vector<16xi32>
    %eq3A_371 = arith.cmpi eq, %get3A_365, %eq3A_370 : vector<16xi32>
    %select_n3A_372 = arith.select %eq3A_371, %get3A_44, %get3A_52 : vector<16xi1>, vector<16xf32>
    %select_n3A_373 = arith.select %eq3A_368, %get3A_36, %select_n3A_372 : vector<16xi1>, vector<16xf32>
    %select_n3A_374 = arith.select %eq3A_371, %get3A_48, %get3A_56 : vector<16xi1>, vector<16xf32>
    %select_n3A_375 = arith.select %eq3A_368, %get3A_40, %select_n3A_374 : vector<16xi1>, vector<16xf32>
    %add3A_376 = arith.constant 512 : i32
    %add3A_377 = vector.broadcast %add3A_376 : i32 to vector<16xi32>
    %add3A_378 = arith.addi %mul3A_33, %add3A_377 : vector<16xi32>
    tpu.vector_store_idx %arg7[%add3A_378], %select_n3A_373 : memref<2048xf32, #tpu.memory_space<vmem>>[vector<16xi32>], vector<16xf32>,
    %add3A_379 = arith.constant 513 : i32
    %add3A_380 = vector.broadcast %add3A_379 : i32 to vector<16xi32>
    %add3A_381 = arith.addi %mul3A_33, %add3A_380 : vector<16xi32>
    tpu.vector_store_idx %arg7[%add3A_381], %select_n3A_375 : memref<2048xf32, #tpu.memory_space<vmem>>[vector<16xi32>], vector<16xf32>,
    %get3A_382 = arith.constant 272 : index
    %get3A_383 = tpu.vector_load %arg5[%get3A_382] {strides = array<i32>} : memref<1024xi32, #tpu.memory_space<vmem>>, vector<16xi32>,
    %eq3A_384 = arith.constant 0 : i32
    %eq3A_385 = vector.broadcast %eq3A_384 : i32 to vector<16xi32>
    %eq3A_386 = arith.cmpi eq, %get3A_383, %eq3A_385 : vector<16xi32>
    %eq3A_387 = arith.constant 1 : i32
    %eq3A_388 = vector.broadcast %eq3A_387 : i32 to vector<16xi32>
    %eq3A_389 = arith.cmpi eq, %get3A_383, %eq3A_388 : vector<16xi32>
    %select_n3A_390 = arith.select %eq3A_389, %get3A_44, %get3A_52 : vector<16xi1>, vector<16xf32>
    %select_n3A_391 = arith.select %eq3A_386, %get3A_36, %select_n3A_390 : vector<16xi1>, vector<16xf32>
    %select_n3A_392 = arith.select %eq3A_389, %get3A_48, %get3A_56 : vector<16xi1>, vector<16xf32>
    %select_n3A_393 = arith.select %eq3A_386, %get3A_40, %select_n3A_392 : vector<16xi1>, vector<16xf32>
    %add3A_394 = arith.constant 544 : i32
    %add3A_395 = vector.broadcast %add3A_394 : i32 to vector<16xi32>
    %add3A_396 = arith.addi %mul3A_33, %add3A_395 : vector<16xi32>
    tpu.vector_store_idx %arg7[%add3A_396], %select_n3A_391 : memref<2048xf32, #tpu.memory_space<vmem>>[vector<16xi32>], vector<16xf32>,
    %add3A_397 = arith.constant 545 : i32
    %add3A_398 = vector.broadcast %add3A_397 : i32 to vector<16xi32>
    %add3A_399 = arith.addi %mul3A_33, %add3A_398 : vector<16xi32>
    tpu.vector_store_idx %arg7[%add3A_399], %select_n3A_393 : memref<2048xf32, #tpu.memory_space<vmem>>[vector<16xi32>], vector<16xf32>,
    %get3A_400 = arith.constant 288 : index
    %get3A_401 = tpu.vector_load %arg5[%get3A_400] {strides = array<i32>} : memref<1024xi32, #tpu.memory_space<vmem>>, vector<16xi32>,
    %eq3A_402 = arith.constant 0 : i32
    %eq3A_403 = vector.broadcast %eq3A_402 : i32 to vector<16xi32>
    %eq3A_404 = arith.cmpi eq, %get3A_401, %eq3A_403 : vector<16xi32>
    %eq3A_405 = arith.constant 1 : i32
    %eq3A_406 = vector.broadcast %eq3A_405 : i32 to vector<16xi32>
    %eq3A_407 = arith.cmpi eq, %get3A_401, %eq3A_406 : vector<16xi32>
    %select_n3A_408 = arith.select %eq3A_407, %get3A_44, %get3A_52 : vector<16xi1>, vector<16xf32>
    %select_n3A_409 = arith.select %eq3A_404, %get3A_36, %select_n3A_408 : vector<16xi1>, vector<16xf32>
    %select_n3A_410 = arith.select %eq3A_407, %get3A_48, %get3A_56 : vector<16xi1>, vector<16xf32>
    %select_n3A_411 = arith.select %eq3A_404, %get3A_40, %select_n3A_410 : vector<16xi1>, vector<16xf32>
    %add3A_412 = arith.constant 576 : i32
    %add3A_413 = vector.broadcast %add3A_412 : i32 to vector<16xi32>
    %add3A_414 = arith.addi %mul3A_33, %add3A_413 : vector<16xi32>
    tpu.vector_store_idx %arg7[%add3A_414], %select_n3A_409 : memref<2048xf32, #tpu.memory_space<vmem>>[vector<16xi32>], vector<16xf32>,
    %add3A_415 = arith.constant 577 : i32
    %add3A_416 = vector.broadcast %add3A_415 : i32 to vector<16xi32>
    %add3A_417 = arith.addi %mul3A_33, %add3A_416 : vector<16xi32>
    tpu.vector_store_idx %arg7[%add3A_417], %select_n3A_411 : memref<2048xf32, #tpu.memory_space<vmem>>[vector<16xi32>], vector<16xf32>,
    %get3A_418 = arith.constant 304 : index
    %get3A_419 = tpu.vector_load %arg5[%get3A_418] {strides = array<i32>} : memref<1024xi32, #tpu.memory_space<vmem>>, vector<16xi32>,
    %eq3A_420 = arith.constant 0 : i32
    %eq3A_421 = vector.broadcast %eq3A_420 : i32 to vector<16xi32>
    %eq3A_422 = arith.cmpi eq, %get3A_419, %eq3A_421 : vector<16xi32>
    %eq3A_423 = arith.constant 1 : i32
    %eq3A_424 = vector.broadcast %eq3A_423 : i32 to vector<16xi32>
    %eq3A_425 = arith.cmpi eq, %get3A_419, %eq3A_424 : vector<16xi32>
    %select_n3A_426 = arith.select %eq3A_425, %get3A_44, %get3A_52 : vector<16xi1>, vector<16xf32>
    %select_n3A_427 = arith.select %eq3A_422, %get3A_36, %select_n3A_426 : vector<16xi1>, vector<16xf32>
    %select_n3A_428 = arith.select %eq3A_425, %get3A_48, %get3A_56 : vector<16xi1>, vector<16xf32>
    %select_n3A_429 = arith.select %eq3A_422, %get3A_40, %select_n3A_428 : vector<16xi1>, vector<16xf32>
    %add3A_430 = arith.constant 608 : i32
    %add3A_431 = vector.broadcast %add3A_430 : i32 to vector<16xi32>
    %add3A_432 = arith.addi %mul3A_33, %add3A_431 : vector<16xi32>
    tpu.vector_store_idx %arg7[%add3A_432], %select_n3A_427 : memref<2048xf32, #tpu.memory_space<vmem>>[vector<16xi32>], vector<16xf32>,
    %add3A_433 = arith.constant 609 : i32
    %add3A_434 = vector.broadcast %add3A_433 : i32 to vector<16xi32>
    %add3A_435 = arith.addi %mul3A_33, %add3A_434 : vector<16xi32>
    tpu.vector_store_idx %arg7[%add3A_435], %select_n3A_429 : memref<2048xf32, #tpu.memory_space<vmem>>[vector<16xi32>], vector<16xf32>,
    %get3A_436 = arith.constant 320 : index
    %get3A_437 = tpu.vector_load %arg5[%get3A_436] {strides = array<i32>} : memref<1024xi32, #tpu.memory_space<vmem>>, vector<16xi32>,
    %eq3A_438 = arith.constant 0 : i32
    %eq3A_439 = vector.broadcast %eq3A_438 : i32 to vector<16xi32>
    %eq3A_440 = arith.cmpi eq, %get3A_437, %eq3A_439 : vector<16xi32>
    %eq3A_441 = arith.constant 1 : i32
    %eq3A_442 = vector.broadcast %eq3A_441 : i32 to vector<16xi32>
    %eq3A_443 = arith.cmpi eq, %get3A_437, %eq3A_442 : vector<16xi32>
    %select_n3A_444 = arith.select %eq3A_443, %get3A_44, %get3A_52 : vector<16xi1>, vector<16xf32>
    %select_n3A_445 = arith.select %eq3A_440, %get3A_36, %select_n3A_444 : vector<16xi1>, vector<16xf32>
    %select_n3A_446 = arith.select %eq3A_443, %get3A_48, %get3A_56 : vector<16xi1>, vector<16xf32>
    %select_n3A_447 = arith.select %eq3A_440, %get3A_40, %select_n3A_446 : vector<16xi1>, vector<16xf32>
    %add3A_448 = arith.constant 640 : i32
    %add3A_449 = vector.broadcast %add3A_448 : i32 to vector<16xi32>
    %add3A_450 = arith.addi %mul3A_33, %add3A_449 : vector<16xi32>
    tpu.vector_store_idx %arg7[%add3A_450], %select_n3A_445 : memref<2048xf32, #tpu.memory_space<vmem>>[vector<16xi32>], vector<16xf32>,
    %add3A_451 = arith.constant 641 : i32
    %add3A_452 = vector.broadcast %add3A_451 : i32 to vector<16xi32>
    %add3A_453 = arith.addi %mul3A_33, %add3A_452 : vector<16xi32>
    tpu.vector_store_idx %arg7[%add3A_453], %select_n3A_447 : memref<2048xf32, #tpu.memory_space<vmem>>[vector<16xi32>], vector<16xf32>,
    %get3A_454 = arith.constant 336 : index
    %get3A_455 = tpu.vector_load %arg5[%get3A_454] {strides = array<i32>} : memref<1024xi32, #tpu.memory_space<vmem>>, vector<16xi32>,
    %eq3A_456 = arith.constant 0 : i32
    %eq3A_457 = vector.broadcast %eq3A_456 : i32 to vector<16xi32>
    %eq3A_458 = arith.cmpi eq, %get3A_455, %eq3A_457 : vector<16xi32>
    %eq3A_459 = arith.constant 1 : i32
    %eq3A_460 = vector.broadcast %eq3A_459 : i32 to vector<16xi32>
    %eq3A_461 = arith.cmpi eq, %get3A_455, %eq3A_460 : vector<16xi32>
    %select_n3A_462 = arith.select %eq3A_461, %get3A_44, %get3A_52 : vector<16xi1>, vector<16xf32>
    %select_n3A_463 = arith.select %eq3A_458, %get3A_36, %select_n3A_462 : vector<16xi1>, vector<16xf32>
    %select_n3A_464 = arith.select %eq3A_461, %get3A_48, %get3A_56 : vector<16xi1>, vector<16xf32>
    %select_n3A_465 = arith.select %eq3A_458, %get3A_40, %select_n3A_464 : vector<16xi1>, vector<16xf32>
    %add3A_466 = arith.constant 672 : i32
    %add3A_467 = vector.broadcast %add3A_466 : i32 to vector<16xi32>
    %add3A_468 = arith.addi %mul3A_33, %add3A_467 : vector<16xi32>
    tpu.vector_store_idx %arg7[%add3A_468], %select_n3A_463 : memref<2048xf32, #tpu.memory_space<vmem>>[vector<16xi32>], vector<16xf32>,
    %add3A_469 = arith.constant 673 : i32
    %add3A_470 = vector.broadcast %add3A_469 : i32 to vector<16xi32>
    %add3A_471 = arith.addi %mul3A_33, %add3A_470 : vector<16xi32>
    tpu.vector_store_idx %arg7[%add3A_471], %select_n3A_465 : memref<2048xf32, #tpu.memory_space<vmem>>[vector<16xi32>], vector<16xf32>,
    %get3A_472 = arith.constant 352 : index
    %get3A_473 = tpu.vector_load %arg5[%get3A_472] {strides = array<i32>} : memref<1024xi32, #tpu.memory_space<vmem>>, vector<16xi32>,
    %eq3A_474 = arith.constant 0 : i32
    %eq3A_475 = vector.broadcast %eq3A_474 : i32 to vector<16xi32>
    %eq3A_476 = arith.cmpi eq, %get3A_473, %eq3A_475 : vector<16xi32>
    %eq3A_477 = arith.constant 1 : i32
    %eq3A_478 = vector.broadcast %eq3A_477 : i32 to vector<16xi32>
    %eq3A_479 = arith.cmpi eq, %get3A_473, %eq3A_478 : vector<16xi32>
    %select_n3A_480 = arith.select %eq3A_479, %get3A_44, %get3A_52 : vector<16xi1>, vector<16xf32>
    %select_n3A_481 = arith.select %eq3A_476, %get3A_36, %select_n3A_480 : vector<16xi1>, vector<16xf32>
    %select_n3A_482 = arith.select %eq3A_479, %get3A_48, %get3A_56 : vector<16xi1>, vector<16xf32>
    %select_n3A_483 = arith.select %eq3A_476, %get3A_40, %select_n3A_482 : vector<16xi1>, vector<16xf32>
    %add3A_484 = arith.constant 704 : i32
    %add3A_485 = vector.broadcast %add3A_484 : i32 to vector<16xi32>
    %add3A_486 = arith.addi %mul3A_33, %add3A_485 : vector<16xi32>
    tpu.vector_store_idx %arg7[%add3A_486], %select_n3A_481 : memref<2048xf32, #tpu.memory_space<vmem>>[vector<16xi32>], vector<16xf32>,
    %add3A_487 = arith.constant 705 : i32
    %add3A_488 = vector.broadcast %add3A_487 : i32 to vector<16xi32>
    %add3A_489 = arith.addi %mul3A_33, %add3A_488 : vector<16xi32>
    tpu.vector_store_idx %arg7[%add3A_489], %select_n3A_483 : memref<2048xf32, #tpu.memory_space<vmem>>[vector<16xi32>], vector<16xf32>,
    %get3A_490 = arith.constant 368 : index
    %get3A_491 = tpu.vector_load %arg5[%get3A_490] {strides = array<i32>} : memref<1024xi32, #tpu.memory_space<vmem>>, vector<16xi32>,
    %eq3A_492 = arith.constant 0 : i32
    %eq3A_493 = vector.broadcast %eq3A_492 : i32 to vector<16xi32>
    %eq3A_494 = arith.cmpi eq, %get3A_491, %eq3A_493 : vector<16xi32>
    %eq3A_495 = arith.constant 1 : i32
    %eq3A_496 = vector.broadcast %eq3A_495 : i32 to vector<16xi32>
    %eq3A_497 = arith.cmpi eq, %get3A_491, %eq3A_496 : vector<16xi32>
    %select_n3A_498 = arith.select %eq3A_497, %get3A_44, %get3A_52 : vector<16xi1>, vector<16xf32>
    %select_n3A_499 = arith.select %eq3A_494, %get3A_36, %select_n3A_498 : vector<16xi1>, vector<16xf32>
    %select_n3A_500 = arith.select %eq3A_497, %get3A_48, %get3A_56 : vector<16xi1>, vector<16xf32>
    %select_n3A_501 = arith.select %eq3A_494, %get3A_40, %select_n3A_500 : vector<16xi1>, vector<16xf32>
    %add3A_502 = arith.constant 736 : i32
    %add3A_503 = vector.broadcast %add3A_502 : i32 to vector<16xi32>
    %add3A_504 = arith.addi %mul3A_33, %add3A_503 : vector<16xi32>
    tpu.vector_store_idx %arg7[%add3A_504], %select_n3A_499 : memref<2048xf32, #tpu.memory_space<vmem>>[vector<16xi32>], vector<16xf32>,
    %add3A_505 = arith.constant 737 : i32
    %add3A_506 = vector.broadcast %add3A_505 : i32 to vector<16xi32>
    %add3A_507 = arith.addi %mul3A_33, %add3A_506 : vector<16xi32>
    tpu.vector_store_idx %arg7[%add3A_507], %select_n3A_501 : memref<2048xf32, #tpu.memory_space<vmem>>[vector<16xi32>], vector<16xf32>,
    %get3A_508 = arith.constant 384 : index
    %get3A_509 = tpu.vector_load %arg5[%get3A_508] {strides = array<i32>} : memref<1024xi32, #tpu.memory_space<vmem>>, vector<16xi32>,
    %eq3A_510 = arith.constant 0 : i32
    %eq3A_511 = vector.broadcast %eq3A_510 : i32 to vector<16xi32>
    %eq3A_512 = arith.cmpi eq, %get3A_509, %eq3A_511 : vector<16xi32>
    %eq3A_513 = arith.constant 1 : i32
    %eq3A_514 = vector.broadcast %eq3A_513 : i32 to vector<16xi32>
    %eq3A_515 = arith.cmpi eq, %get3A_509, %eq3A_514 : vector<16xi32>
    %select_n3A_516 = arith.select %eq3A_515, %get3A_44, %get3A_52 : vector<16xi1>, vector<16xf32>
    %select_n3A_517 = arith.select %eq3A_512, %get3A_36, %select_n3A_516 : vector<16xi1>, vector<16xf32>
    %select_n3A_518 = arith.select %eq3A_515, %get3A_48, %get3A_56 : vector<16xi1>, vector<16xf32>
    %select_n3A_519 = arith.select %eq3A_512, %get3A_40, %select_n3A_518 : vector<16xi1>, vector<16xf32>
    %add3A_520 = arith.constant 768 : i32
    %add3A_521 = vector.broadcast %add3A_520 : i32 to vector<16xi32>
    %add3A_522 = arith.addi %mul3A_33, %add3A_521 : vector<16xi32>
    tpu.vector_store_idx %arg7[%add3A_522], %select_n3A_517 : memref<2048xf32, #tpu.memory_space<vmem>>[vector<16xi32>], vector<16xf32>,
    %add3A_523 = arith.constant 769 : i32
    %add3A_524 = vector.broadcast %add3A_523 : i32 to vector<16xi32>
    %add3A_525 = arith.addi %mul3A_33, %add3A_524 : vector<16xi32>
    tpu.vector_store_idx %arg7[%add3A_525], %select_n3A_519 : memref<2048xf32, #tpu.memory_space<vmem>>[vector<16xi32>], vector<16xf32>,
    %get3A_526 = arith.constant 400 : index
    %get3A_527 = tpu.vector_load %arg5[%get3A_526] {strides = array<i32>} : memref<1024xi32, #tpu.memory_space<vmem>>, vector<16xi32>,
    %eq3A_528 = arith.constant 0 : i32
    %eq3A_529 = vector.broadcast %eq3A_528 : i32 to vector<16xi32>
    %eq3A_530 = arith.cmpi eq, %get3A_527, %eq3A_529 : vector<16xi32>
    %eq3A_531 = arith.constant 1 : i32
    %eq3A_532 = vector.broadcast %eq3A_531 : i32 to vector<16xi32>
    %eq3A_533 = arith.cmpi eq, %get3A_527, %eq3A_532 : vector<16xi32>
    %select_n3A_534 = arith.select %eq3A_533, %get3A_44, %get3A_52 : vector<16xi1>, vector<16xf32>
    %select_n3A_535 = arith.select %eq3A_530, %get3A_36, %select_n3A_534 : vector<16xi1>, vector<16xf32>
    %select_n3A_536 = arith.select %eq3A_533, %get3A_48, %get3A_56 : vector<16xi1>, vector<16xf32>
    %select_n3A_537 = arith.select %eq3A_530, %get3A_40, %select_n3A_536 : vector<16xi1>, vector<16xf32>
    %add3A_538 = arith.constant 800 : i32
    %add3A_539 = vector.broadcast %add3A_538 : i32 to vector<16xi32>
    %add3A_540 = arith.addi %mul3A_33, %add3A_539 : vector<16xi32>
    tpu.vector_store_idx %arg7[%add3A_540], %select_n3A_535 : memref<2048xf32, #tpu.memory_space<vmem>>[vector<16xi32>], vector<16xf32>,
    %add3A_541 = arith.constant 801 : i32
    %add3A_542 = vector.broadcast %add3A_541 : i32 to vector<16xi32>
    %add3A_543 = arith.addi %mul3A_33, %add3A_542 : vector<16xi32>
    tpu.vector_store_idx %arg7[%add3A_543], %select_n3A_537 : memref<2048xf32, #tpu.memory_space<vmem>>[vector<16xi32>], vector<16xf32>,
    %get3A_544 = arith.constant 416 : index
    %get3A_545 = tpu.vector_load %arg5[%get3A_544] {strides = array<i32>} : memref<1024xi32, #tpu.memory_space<vmem>>, vector<16xi32>,
    %eq3A_546 = arith.constant 0 : i32
    %eq3A_547 = vector.broadcast %eq3A_546 : i32 to vector<16xi32>
    %eq3A_548 = arith.cmpi eq, %get3A_545, %eq3A_547 : vector<16xi32>
    %eq3A_549 = arith.constant 1 : i32
    %eq3A_550 = vector.broadcast %eq3A_549 : i32 to vector<16xi32>
    %eq3A_551 = arith.cmpi eq, %get3A_545, %eq3A_550 : vector<16xi32>
    %select_n3A_552 = arith.select %eq3A_551, %get3A_44, %get3A_52 : vector<16xi1>, vector<16xf32>
    %select_n3A_553 = arith.select %eq3A_548, %get3A_36, %select_n3A_552 : vector<16xi1>, vector<16xf32>
    %select_n3A_554 = arith.select %eq3A_551, %get3A_48, %get3A_56 : vector<16xi1>, vector<16xf32>
    %select_n3A_555 = arith.select %eq3A_548, %get3A_40, %select_n3A_554 : vector<16xi1>, vector<16xf32>
    %add3A_556 = arith.constant 832 : i32
    %add3A_557 = vector.broadcast %add3A_556 : i32 to vector<16xi32>
    %add3A_558 = arith.addi %mul3A_33, %add3A_557 : vector<16xi32>
    tpu.vector_store_idx %arg7[%add3A_558], %select_n3A_553 : memref<2048xf32, #tpu.memory_space<vmem>>[vector<16xi32>], vector<16xf32>,
    %add3A_559 = arith.constant 833 : i32
    %add3A_560 = vector.broadcast %add3A_559 : i32 to vector<16xi32>
    %add3A_561 = arith.addi %mul3A_33, %add3A_560 : vector<16xi32>
    tpu.vector_store_idx %arg7[%add3A_561], %select_n3A_555 : memref<2048xf32, #tpu.memory_space<vmem>>[vector<16xi32>], vector<16xf32>,
    %get3A_562 = arith.constant 432 : index
    %get3A_563 = tpu.vector_load %arg5[%get3A_562] {strides = array<i32>} : memref<1024xi32, #tpu.memory_space<vmem>>, vector<16xi32>,
    %eq3A_564 = arith.constant 0 : i32
    %eq3A_565 = vector.broadcast %eq3A_564 : i32 to vector<16xi32>
    %eq3A_566 = arith.cmpi eq, %get3A_563, %eq3A_565 : vector<16xi32>
    %eq3A_567 = arith.constant 1 : i32
    %eq3A_568 = vector.broadcast %eq3A_567 : i32 to vector<16xi32>
    %eq3A_569 = arith.cmpi eq, %get3A_563, %eq3A_568 : vector<16xi32>
    %select_n3A_570 = arith.select %eq3A_569, %get3A_44, %get3A_52 : vector<16xi1>, vector<16xf32>
    %select_n3A_571 = arith.select %eq3A_566, %get3A_36, %select_n3A_570 : vector<16xi1>, vector<16xf32>
    %select_n3A_572 = arith.select %eq3A_569, %get3A_48, %get3A_56 : vector<16xi1>, vector<16xf32>
    %select_n3A_573 = arith.select %eq3A_566, %get3A_40, %select_n3A_572 : vector<16xi1>, vector<16xf32>
    %add3A_574 = arith.constant 864 : i32
    %add3A_575 = vector.broadcast %add3A_574 : i32 to vector<16xi32>
    %add3A_576 = arith.addi %mul3A_33, %add3A_575 : vector<16xi32>
    tpu.vector_store_idx %arg7[%add3A_576], %select_n3A_571 : memref<2048xf32, #tpu.memory_space<vmem>>[vector<16xi32>], vector<16xf32>,
    %add3A_577 = arith.constant 865 : i32
    %add3A_578 = vector.broadcast %add3A_577 : i32 to vector<16xi32>
    %add3A_579 = arith.addi %mul3A_33, %add3A_578 : vector<16xi32>
    tpu.vector_store_idx %arg7[%add3A_579], %select_n3A_573 : memref<2048xf32, #tpu.memory_space<vmem>>[vector<16xi32>], vector<16xf32>,
    %get3A_580 = arith.constant 448 : index
    %get3A_581 = tpu.vector_load %arg5[%get3A_580] {strides = array<i32>} : memref<1024xi32, #tpu.memory_space<vmem>>, vector<16xi32>,
    %eq3A_582 = arith.constant 0 : i32
    %eq3A_583 = vector.broadcast %eq3A_582 : i32 to vector<16xi32>
    %eq3A_584 = arith.cmpi eq, %get3A_581, %eq3A_583 : vector<16xi32>
    %eq3A_585 = arith.constant 1 : i32
    %eq3A_586 = vector.broadcast %eq3A_585 : i32 to vector<16xi32>
    %eq3A_587 = arith.cmpi eq, %get3A_581, %eq3A_586 : vector<16xi32>
    %select_n3A_588 = arith.select %eq3A_587, %get3A_44, %get3A_52 : vector<16xi1>, vector<16xf32>
    %select_n3A_589 = arith.select %eq3A_584, %get3A_36, %select_n3A_588 : vector<16xi1>, vector<16xf32>
    %select_n3A_590 = arith.select %eq3A_587, %get3A_48, %get3A_56 : vector<16xi1>, vector<16xf32>
    %select_n3A_591 = arith.select %eq3A_584, %get3A_40, %select_n3A_590 : vector<16xi1>, vector<16xf32>
    %add3A_592 = arith.constant 896 : i32
    %add3A_593 = vector.broadcast %add3A_592 : i32 to vector<16xi32>
    %add3A_594 = arith.addi %mul3A_33, %add3A_593 : vector<16xi32>
    tpu.vector_store_idx %arg7[%add3A_594], %select_n3A_589 : memref<2048xf32, #tpu.memory_space<vmem>>[vector<16xi32>], vector<16xf32>,
    %add3A_595 = arith.constant 897 : i32
    %add3A_596 = vector.broadcast %add3A_595 : i32 to vector<16xi32>
    %add3A_597 = arith.addi %mul3A_33, %add3A_596 : vector<16xi32>
    tpu.vector_store_idx %arg7[%add3A_597], %select_n3A_591 : memref<2048xf32, #tpu.memory_space<vmem>>[vector<16xi32>], vector<16xf32>,
    %get3A_598 = arith.constant 464 : index
    %get3A_599 = tpu.vector_load %arg5[%get3A_598] {strides = array<i32>} : memref<1024xi32, #tpu.memory_space<vmem>>, vector<16xi32>,
    %eq3A_600 = arith.constant 0 : i32
    %eq3A_601 = vector.broadcast %eq3A_600 : i32 to vector<16xi32>
    %eq3A_602 = arith.cmpi eq, %get3A_599, %eq3A_601 : vector<16xi32>
    %eq3A_603 = arith.constant 1 : i32
    %eq3A_604 = vector.broadcast %eq3A_603 : i32 to vector<16xi32>
    %eq3A_605 = arith.cmpi eq, %get3A_599, %eq3A_604 : vector<16xi32>
    %select_n3A_606 = arith.select %eq3A_605, %get3A_44, %get3A_52 : vector<16xi1>, vector<16xf32>
    %select_n3A_607 = arith.select %eq3A_602, %get3A_36, %select_n3A_606 : vector<16xi1>, vector<16xf32>
    %select_n3A_608 = arith.select %eq3A_605, %get3A_48, %get3A_56 : vector<16xi1>, vector<16xf32>
    %select_n3A_609 = arith.select %eq3A_602, %get3A_40, %select_n3A_608 : vector<16xi1>, vector<16xf32>
    %add3A_610 = arith.constant 928 : i32
    %add3A_611 = vector.broadcast %add3A_610 : i32 to vector<16xi32>
    %add3A_612 = arith.addi %mul3A_33, %add3A_611 : vector<16xi32>
    tpu.vector_store_idx %arg7[%add3A_612], %select_n3A_607 : memref<2048xf32, #tpu.memory_space<vmem>>[vector<16xi32>], vector<16xf32>,
    %add3A_613 = arith.constant 929 : i32
    %add3A_614 = vector.broadcast %add3A_613 : i32 to vector<16xi32>
    %add3A_615 = arith.addi %mul3A_33, %add3A_614 : vector<16xi32>
    tpu.vector_store_idx %arg7[%add3A_615], %select_n3A_609 : memref<2048xf32, #tpu.memory_space<vmem>>[vector<16xi32>], vector<16xf32>,
    %get3A_616 = arith.constant 480 : index
    %get3A_617 = tpu.vector_load %arg5[%get3A_616] {strides = array<i32>} : memref<1024xi32, #tpu.memory_space<vmem>>, vector<16xi32>,
    %eq3A_618 = arith.constant 0 : i32
    %eq3A_619 = vector.broadcast %eq3A_618 : i32 to vector<16xi32>
    %eq3A_620 = arith.cmpi eq, %get3A_617, %eq3A_619 : vector<16xi32>
    %eq3A_621 = arith.constant 1 : i32
    %eq3A_622 = vector.broadcast %eq3A_621 : i32 to vector<16xi32>
    %eq3A_623 = arith.cmpi eq, %get3A_617, %eq3A_622 : vector<16xi32>
    %select_n3A_624 = arith.select %eq3A_623, %get3A_44, %get3A_52 : vector<16xi1>, vector<16xf32>
    %select_n3A_625 = arith.select %eq3A_620, %get3A_36, %select_n3A_624 : vector<16xi1>, vector<16xf32>
    %select_n3A_626 = arith.select %eq3A_623, %get3A_48, %get3A_56 : vector<16xi1>, vector<16xf32>
    %select_n3A_627 = arith.select %eq3A_620, %get3A_40, %select_n3A_626 : vector<16xi1>, vector<16xf32>
    %add3A_628 = arith.constant 960 : i32
    %add3A_629 = vector.broadcast %add3A_628 : i32 to vector<16xi32>
    %add3A_630 = arith.addi %mul3A_33, %add3A_629 : vector<16xi32>
    tpu.vector_store_idx %arg7[%add3A_630], %select_n3A_625 : memref<2048xf32, #tpu.memory_space<vmem>>[vector<16xi32>], vector<16xf32>,
    %add3A_631 = arith.constant 961 : i32
    %add3A_632 = vector.broadcast %add3A_631 : i32 to vector<16xi32>
    %add3A_633 = arith.addi %mul3A_33, %add3A_632 : vector<16xi32>
    tpu.vector_store_idx %arg7[%add3A_633], %select_n3A_627 : memref<2048xf32, #tpu.memory_space<vmem>>[vector<16xi32>], vector<16xf32>,
    %get3A_634 = arith.constant 496 : index
    %get3A_635 = tpu.vector_load %arg5[%get3A_634] {strides = array<i32>} : memref<1024xi32, #tpu.memory_space<vmem>>, vector<16xi32>,
    %eq3A_636 = arith.constant 0 : i32
    %eq3A_637 = vector.broadcast %eq3A_636 : i32 to vector<16xi32>
    %eq3A_638 = arith.cmpi eq, %get3A_635, %eq3A_637 : vector<16xi32>
    %eq3A_639 = arith.constant 1 : i32
    %eq3A_640 = vector.broadcast %eq3A_639 : i32 to vector<16xi32>
    %eq3A_641 = arith.cmpi eq, %get3A_635, %eq3A_640 : vector<16xi32>
    %select_n3A_642 = arith.select %eq3A_641, %get3A_44, %get3A_52 : vector<16xi1>, vector<16xf32>
    %select_n3A_643 = arith.select %eq3A_638, %get3A_36, %select_n3A_642 : vector<16xi1>, vector<16xf32>
    %select_n3A_644 = arith.select %eq3A_641, %get3A_48, %get3A_56 : vector<16xi1>, vector<16xf32>
    %select_n3A_645 = arith.select %eq3A_638, %get3A_40, %select_n3A_644 : vector<16xi1>, vector<16xf32>
    %add3A_646 = arith.constant 992 : i32
    %add3A_647 = vector.broadcast %add3A_646 : i32 to vector<16xi32>
    %add3A_648 = arith.addi %mul3A_33, %add3A_647 : vector<16xi32>
    tpu.vector_store_idx %arg7[%add3A_648], %select_n3A_643 : memref<2048xf32, #tpu.memory_space<vmem>>[vector<16xi32>], vector<16xf32>,
    %add3A_649 = arith.constant 993 : i32
    %add3A_650 = vector.broadcast %add3A_649 : i32 to vector<16xi32>
    %add3A_651 = arith.addi %mul3A_33, %add3A_650 : vector<16xi32>
    tpu.vector_store_idx %arg7[%add3A_651], %select_n3A_645 : memref<2048xf32, #tpu.memory_space<vmem>>[vector<16xi32>], vector<16xf32>,
    %mul3A_652 = arith.constant 2 : i32
    %mul3A_653 = arith.muli %mul3A_0, %mul3A_652 : i32
    %add3A_654 = arith.constant 512 : i32
    %add3A_655 = arith.addi %mul3A_653, %add3A_654 : i32
    %dma_start3A_656 = arith.constant 512 : i32
    %dma_start3A_657 = tpu.memref_slice %arg7[%dma_start3A_656] : memref<2048xf32, #tpu.memory_space<vmem>> -> memref<512xf32, #tpu.memory_space<vmem>>
    %dma_start3A_658 = tpu.memref_slice %arg4[%add3A_655] : memref<32768xf32, #tpu.memory_space<hbm>> -> memref<512xf32, #tpu.memory_space<hbm>>
    %dma_start3A_659 = tpu.memref_slice %arg4[%add3A_655] : memref<32768xf32, #tpu.memory_space<hbm>> -> memref<512xf32, #tpu.memory_space<hbm>>
    %dma_start3A_660 = arith.constant 512 : i32
    %dma_start3A_661 = tpu.memref_slice %arg7[%dma_start3A_660] : memref<2048xf32, #tpu.memory_space<vmem>> -> memref<512xf32, #tpu.memory_space<vmem>>
    tpu.enqueue_dma source(%dma_start3A_661 : memref<512xf32, #tpu.memory_space<vmem>>) target(%dma_start3A_659 : memref<512xf32, #tpu.memory_space<hbm>>) target_semaphore(%arg14 : memref<!tpu.dma_semaphore, #tpu.memory_space<semaphore_mem>>)
    %dma_wait3A_662 = arith.constant 512 : i32
    %dma_wait3A_663 = tpu.memref_slice %arg5[%dma_wait3A_662] : memref<1024xi32, #tpu.memory_space<vmem>> -> memref<256xi32, #tpu.memory_space<vmem>>
    %dma_wait3A_664 = tpu.memref_slice %arg2[%add3A_16] : memref<16384xi32, #tpu.memory_space<hbm>> -> memref<256xi32, #tpu.memory_space<hbm>>
    %dma_wait3A_665 = arith.constant 512 : i32
    %dma_wait3A_666 = tpu.memref_slice %arg5[%dma_wait3A_665] : memref<1024xi32, #tpu.memory_space<vmem>> -> memref<256xi32, #tpu.memory_space<vmem>>
    %dma_wait3A_667 = tpu.memref_slice %arg2[%add3A_16] : memref<16384xi32, #tpu.memory_space<hbm>> -> memref<256xi32, #tpu.memory_space<hbm>>
    tpu.wait_dma2 semaphore(%arg11 : memref<!tpu.dma_semaphore, #tpu.memory_space<semaphore_mem>>) src(%dma_wait3A_667 : memref<256xi32, #tpu.memory_space<hbm>>) dst(%dma_wait3A_666 : memref<256xi32, #tpu.memory_space<vmem>>)
    %get3A_668 = arith.constant 512 : index
    %get3A_669 = tpu.vector_load %arg5[%get3A_668] {strides = array<i32>} : memref<1024xi32, #tpu.memory_space<vmem>>, vector<16xi32>,
    %eq3A_670 = arith.constant 0 : i32
    %eq3A_671 = vector.broadcast %eq3A_670 : i32 to vector<16xi32>
    %eq3A_672 = arith.cmpi eq, %get3A_669, %eq3A_671 : vector<16xi32>
    %eq3A_673 = arith.constant 1 : i32
    %eq3A_674 = vector.broadcast %eq3A_673 : i32 to vector<16xi32>
    %eq3A_675 = arith.cmpi eq, %get3A_669, %eq3A_674 : vector<16xi32>
    %select_n3A_676 = arith.select %eq3A_675, %get3A_44, %get3A_52 : vector<16xi1>, vector<16xf32>
    %select_n3A_677 = arith.select %eq3A_672, %get3A_36, %select_n3A_676 : vector<16xi1>, vector<16xf32>
    %select_n3A_678 = arith.select %eq3A_675, %get3A_48, %get3A_56 : vector<16xi1>, vector<16xf32>
    %select_n3A_679 = arith.select %eq3A_672, %get3A_40, %select_n3A_678 : vector<16xi1>, vector<16xf32>
    %add3A_680 = arith.constant 1024 : i32
    %add3A_681 = vector.broadcast %add3A_680 : i32 to vector<16xi32>
    %add3A_682 = arith.addi %mul3A_33, %add3A_681 : vector<16xi32>
    tpu.vector_store_idx %arg7[%add3A_682], %select_n3A_677 : memref<2048xf32, #tpu.memory_space<vmem>>[vector<16xi32>], vector<16xf32>,
    %add3A_683 = arith.constant 1025 : i32
    %add3A_684 = vector.broadcast %add3A_683 : i32 to vector<16xi32>
    %add3A_685 = arith.addi %mul3A_33, %add3A_684 : vector<16xi32>
    tpu.vector_store_idx %arg7[%add3A_685], %select_n3A_679 : memref<2048xf32, #tpu.memory_space<vmem>>[vector<16xi32>], vector<16xf32>,
    %get3A_686 = arith.constant 528 : index
    %get3A_687 = tpu.vector_load %arg5[%get3A_686] {strides = array<i32>} : memref<1024xi32, #tpu.memory_space<vmem>>, vector<16xi32>,
    %eq3A_688 = arith.constant 0 : i32
    %eq3A_689 = vector.broadcast %eq3A_688 : i32 to vector<16xi32>
    %eq3A_690 = arith.cmpi eq, %get3A_687, %eq3A_689 : vector<16xi32>
    %eq3A_691 = arith.constant 1 : i32
    %eq3A_692 = vector.broadcast %eq3A_691 : i32 to vector<16xi32>
    %eq3A_693 = arith.cmpi eq, %get3A_687, %eq3A_692 : vector<16xi32>
    %select_n3A_694 = arith.select %eq3A_693, %get3A_44, %get3A_52 : vector<16xi1>, vector<16xf32>
    %select_n3A_695 = arith.select %eq3A_690, %get3A_36, %select_n3A_694 : vector<16xi1>, vector<16xf32>
    %select_n3A_696 = arith.select %eq3A_693, %get3A_48, %get3A_56 : vector<16xi1>, vector<16xf32>
    %select_n3A_697 = arith.select %eq3A_690, %get3A_40, %select_n3A_696 : vector<16xi1>, vector<16xf32>
    %add3A_698 = arith.constant 1056 : i32
    %add3A_699 = vector.broadcast %add3A_698 : i32 to vector<16xi32>
    %add3A_700 = arith.addi %mul3A_33, %add3A_699 : vector<16xi32>
    tpu.vector_store_idx %arg7[%add3A_700], %select_n3A_695 : memref<2048xf32, #tpu.memory_space<vmem>>[vector<16xi32>], vector<16xf32>,
    %add3A_701 = arith.constant 1057 : i32
    %add3A_702 = vector.broadcast %add3A_701 : i32 to vector<16xi32>
    %add3A_703 = arith.addi %mul3A_33, %add3A_702 : vector<16xi32>
    tpu.vector_store_idx %arg7[%add3A_703], %select_n3A_697 : memref<2048xf32, #tpu.memory_space<vmem>>[vector<16xi32>], vector<16xf32>,
    %get3A_704 = arith.constant 544 : index
    %get3A_705 = tpu.vector_load %arg5[%get3A_704] {strides = array<i32>} : memref<1024xi32, #tpu.memory_space<vmem>>, vector<16xi32>,
    %eq3A_706 = arith.constant 0 : i32
    %eq3A_707 = vector.broadcast %eq3A_706 : i32 to vector<16xi32>
    %eq3A_708 = arith.cmpi eq, %get3A_705, %eq3A_707 : vector<16xi32>
    %eq3A_709 = arith.constant 1 : i32
    %eq3A_710 = vector.broadcast %eq3A_709 : i32 to vector<16xi32>
    %eq3A_711 = arith.cmpi eq, %get3A_705, %eq3A_710 : vector<16xi32>
    %select_n3A_712 = arith.select %eq3A_711, %get3A_44, %get3A_52 : vector<16xi1>, vector<16xf32>
    %select_n3A_713 = arith.select %eq3A_708, %get3A_36, %select_n3A_712 : vector<16xi1>, vector<16xf32>
    %select_n3A_714 = arith.select %eq3A_711, %get3A_48, %get3A_56 : vector<16xi1>, vector<16xf32>
    %select_n3A_715 = arith.select %eq3A_708, %get3A_40, %select_n3A_714 : vector<16xi1>, vector<16xf32>
    %add3A_716 = arith.constant 1088 : i32
    %add3A_717 = vector.broadcast %add3A_716 : i32 to vector<16xi32>
    %add3A_718 = arith.addi %mul3A_33, %add3A_717 : vector<16xi32>
    tpu.vector_store_idx %arg7[%add3A_718], %select_n3A_713 : memref<2048xf32, #tpu.memory_space<vmem>>[vector<16xi32>], vector<16xf32>,
    %add3A_719 = arith.constant 1089 : i32
    %add3A_720 = vector.broadcast %add3A_719 : i32 to vector<16xi32>
    %add3A_721 = arith.addi %mul3A_33, %add3A_720 : vector<16xi32>
    tpu.vector_store_idx %arg7[%add3A_721], %select_n3A_715 : memref<2048xf32, #tpu.memory_space<vmem>>[vector<16xi32>], vector<16xf32>,
    %get3A_722 = arith.constant 560 : index
    %get3A_723 = tpu.vector_load %arg5[%get3A_722] {strides = array<i32>} : memref<1024xi32, #tpu.memory_space<vmem>>, vector<16xi32>,
    %eq3A_724 = arith.constant 0 : i32
    %eq3A_725 = vector.broadcast %eq3A_724 : i32 to vector<16xi32>
    %eq3A_726 = arith.cmpi eq, %get3A_723, %eq3A_725 : vector<16xi32>
    %eq3A_727 = arith.constant 1 : i32
    %eq3A_728 = vector.broadcast %eq3A_727 : i32 to vector<16xi32>
    %eq3A_729 = arith.cmpi eq, %get3A_723, %eq3A_728 : vector<16xi32>
    %select_n3A_730 = arith.select %eq3A_729, %get3A_44, %get3A_52 : vector<16xi1>, vector<16xf32>
    %select_n3A_731 = arith.select %eq3A_726, %get3A_36, %select_n3A_730 : vector<16xi1>, vector<16xf32>
    %select_n3A_732 = arith.select %eq3A_729, %get3A_48, %get3A_56 : vector<16xi1>, vector<16xf32>
    %select_n3A_733 = arith.select %eq3A_726, %get3A_40, %select_n3A_732 : vector<16xi1>, vector<16xf32>
    %add3A_734 = arith.constant 1120 : i32
    %add3A_735 = vector.broadcast %add3A_734 : i32 to vector<16xi32>
    %add3A_736 = arith.addi %mul3A_33, %add3A_735 : vector<16xi32>
    tpu.vector_store_idx %arg7[%add3A_736], %select_n3A_731 : memref<2048xf32, #tpu.memory_space<vmem>>[vector<16xi32>], vector<16xf32>,
    %add3A_737 = arith.constant 1121 : i32
    %add3A_738 = vector.broadcast %add3A_737 : i32 to vector<16xi32>
    %add3A_739 = arith.addi %mul3A_33, %add3A_738 : vector<16xi32>
    tpu.vector_store_idx %arg7[%add3A_739], %select_n3A_733 : memref<2048xf32, #tpu.memory_space<vmem>>[vector<16xi32>], vector<16xf32>,
    %get3A_740 = arith.constant 576 : index
    %get3A_741 = tpu.vector_load %arg5[%get3A_740] {strides = array<i32>} : memref<1024xi32, #tpu.memory_space<vmem>>, vector<16xi32>,
    %eq3A_742 = arith.constant 0 : i32
    %eq3A_743 = vector.broadcast %eq3A_742 : i32 to vector<16xi32>
    %eq3A_744 = arith.cmpi eq, %get3A_741, %eq3A_743 : vector<16xi32>
    %eq3A_745 = arith.constant 1 : i32
    %eq3A_746 = vector.broadcast %eq3A_745 : i32 to vector<16xi32>
    %eq3A_747 = arith.cmpi eq, %get3A_741, %eq3A_746 : vector<16xi32>
    %select_n3A_748 = arith.select %eq3A_747, %get3A_44, %get3A_52 : vector<16xi1>, vector<16xf32>
    %select_n3A_749 = arith.select %eq3A_744, %get3A_36, %select_n3A_748 : vector<16xi1>, vector<16xf32>
    %select_n3A_750 = arith.select %eq3A_747, %get3A_48, %get3A_56 : vector<16xi1>, vector<16xf32>
    %select_n3A_751 = arith.select %eq3A_744, %get3A_40, %select_n3A_750 : vector<16xi1>, vector<16xf32>
    %add3A_752 = arith.constant 1152 : i32
    %add3A_753 = vector.broadcast %add3A_752 : i32 to vector<16xi32>
    %add3A_754 = arith.addi %mul3A_33, %add3A_753 : vector<16xi32>
    tpu.vector_store_idx %arg7[%add3A_754], %select_n3A_749 : memref<2048xf32, #tpu.memory_space<vmem>>[vector<16xi32>], vector<16xf32>,
    %add3A_755 = arith.constant 1153 : i32
    %add3A_756 = vector.broadcast %add3A_755 : i32 to vector<16xi32>
    %add3A_757 = arith.addi %mul3A_33, %add3A_756 : vector<16xi32>
    tpu.vector_store_idx %arg7[%add3A_757], %select_n3A_751 : memref<2048xf32, #tpu.memory_space<vmem>>[vector<16xi32>], vector<16xf32>,
    %get3A_758 = arith.constant 592 : index
    %get3A_759 = tpu.vector_load %arg5[%get3A_758] {strides = array<i32>} : memref<1024xi32, #tpu.memory_space<vmem>>, vector<16xi32>,
    %eq3A_760 = arith.constant 0 : i32
    %eq3A_761 = vector.broadcast %eq3A_760 : i32 to vector<16xi32>
    %eq3A_762 = arith.cmpi eq, %get3A_759, %eq3A_761 : vector<16xi32>
    %eq3A_763 = arith.constant 1 : i32
    %eq3A_764 = vector.broadcast %eq3A_763 : i32 to vector<16xi32>
    %eq3A_765 = arith.cmpi eq, %get3A_759, %eq3A_764 : vector<16xi32>
    %select_n3A_766 = arith.select %eq3A_765, %get3A_44, %get3A_52 : vector<16xi1>, vector<16xf32>
    %select_n3A_767 = arith.select %eq3A_762, %get3A_36, %select_n3A_766 : vector<16xi1>, vector<16xf32>
    %select_n3A_768 = arith.select %eq3A_765, %get3A_48, %get3A_56 : vector<16xi1>, vector<16xf32>
    %select_n3A_769 = arith.select %eq3A_762, %get3A_40, %select_n3A_768 : vector<16xi1>, vector<16xf32>
    %add3A_770 = arith.constant 1184 : i32
    %add3A_771 = vector.broadcast %add3A_770 : i32 to vector<16xi32>
    %add3A_772 = arith.addi %mul3A_33, %add3A_771 : vector<16xi32>
    tpu.vector_store_idx %arg7[%add3A_772], %select_n3A_767 : memref<2048xf32, #tpu.memory_space<vmem>>[vector<16xi32>], vector<16xf32>,
    %add3A_773 = arith.constant 1185 : i32
    %add3A_774 = vector.broadcast %add3A_773 : i32 to vector<16xi32>
    %add3A_775 = arith.addi %mul3A_33, %add3A_774 : vector<16xi32>
    tpu.vector_store_idx %arg7[%add3A_775], %select_n3A_769 : memref<2048xf32, #tpu.memory_space<vmem>>[vector<16xi32>], vector<16xf32>,
    %get3A_776 = arith.constant 608 : index
    %get3A_777 = tpu.vector_load %arg5[%get3A_776] {strides = array<i32>} : memref<1024xi32, #tpu.memory_space<vmem>>, vector<16xi32>,
    %eq3A_778 = arith.constant 0 : i32
    %eq3A_779 = vector.broadcast %eq3A_778 : i32 to vector<16xi32>
    %eq3A_780 = arith.cmpi eq, %get3A_777, %eq3A_779 : vector<16xi32>
    %eq3A_781 = arith.constant 1 : i32
    %eq3A_782 = vector.broadcast %eq3A_781 : i32 to vector<16xi32>
    %eq3A_783 = arith.cmpi eq, %get3A_777, %eq3A_782 : vector<16xi32>
    %select_n3A_784 = arith.select %eq3A_783, %get3A_44, %get3A_52 : vector<16xi1>, vector<16xf32>
    %select_n3A_785 = arith.select %eq3A_780, %get3A_36, %select_n3A_784 : vector<16xi1>, vector<16xf32>
    %select_n3A_786 = arith.select %eq3A_783, %get3A_48, %get3A_56 : vector<16xi1>, vector<16xf32>
    %select_n3A_787 = arith.select %eq3A_780, %get3A_40, %select_n3A_786 : vector<16xi1>, vector<16xf32>
    %add3A_788 = arith.constant 1216 : i32
    %add3A_789 = vector.broadcast %add3A_788 : i32 to vector<16xi32>
    %add3A_790 = arith.addi %mul3A_33, %add3A_789 : vector<16xi32>
    tpu.vector_store_idx %arg7[%add3A_790], %select_n3A_785 : memref<2048xf32, #tpu.memory_space<vmem>>[vector<16xi32>], vector<16xf32>,
    %add3A_791 = arith.constant 1217 : i32
    %add3A_792 = vector.broadcast %add3A_791 : i32 to vector<16xi32>
    %add3A_793 = arith.addi %mul3A_33, %add3A_792 : vector<16xi32>
    tpu.vector_store_idx %arg7[%add3A_793], %select_n3A_787 : memref<2048xf32, #tpu.memory_space<vmem>>[vector<16xi32>], vector<16xf32>,
    %get3A_794 = arith.constant 624 : index
    %get3A_795 = tpu.vector_load %arg5[%get3A_794] {strides = array<i32>} : memref<1024xi32, #tpu.memory_space<vmem>>, vector<16xi32>,
    %eq3A_796 = arith.constant 0 : i32
    %eq3A_797 = vector.broadcast %eq3A_796 : i32 to vector<16xi32>
    %eq3A_798 = arith.cmpi eq, %get3A_795, %eq3A_797 : vector<16xi32>
    %eq3A_799 = arith.constant 1 : i32
    %eq3A_800 = vector.broadcast %eq3A_799 : i32 to vector<16xi32>
    %eq3A_801 = arith.cmpi eq, %get3A_795, %eq3A_800 : vector<16xi32>
    %select_n3A_802 = arith.select %eq3A_801, %get3A_44, %get3A_52 : vector<16xi1>, vector<16xf32>
    %select_n3A_803 = arith.select %eq3A_798, %get3A_36, %select_n3A_802 : vector<16xi1>, vector<16xf32>
    %select_n3A_804 = arith.select %eq3A_801, %get3A_48, %get3A_56 : vector<16xi1>, vector<16xf32>
    %select_n3A_805 = arith.select %eq3A_798, %get3A_40, %select_n3A_804 : vector<16xi1>, vector<16xf32>
    %add3A_806 = arith.constant 1248 : i32
    %add3A_807 = vector.broadcast %add3A_806 : i32 to vector<16xi32>
    %add3A_808 = arith.addi %mul3A_33, %add3A_807 : vector<16xi32>
    tpu.vector_store_idx %arg7[%add3A_808], %select_n3A_803 : memref<2048xf32, #tpu.memory_space<vmem>>[vector<16xi32>], vector<16xf32>,
    %add3A_809 = arith.constant 1249 : i32
    %add3A_810 = vector.broadcast %add3A_809 : i32 to vector<16xi32>
    %add3A_811 = arith.addi %mul3A_33, %add3A_810 : vector<16xi32>
    tpu.vector_store_idx %arg7[%add3A_811], %select_n3A_805 : memref<2048xf32, #tpu.memory_space<vmem>>[vector<16xi32>], vector<16xf32>,
    %get3A_812 = arith.constant 640 : index
    %get3A_813 = tpu.vector_load %arg5[%get3A_812] {strides = array<i32>} : memref<1024xi32, #tpu.memory_space<vmem>>, vector<16xi32>,
    %eq3A_814 = arith.constant 0 : i32
    %eq3A_815 = vector.broadcast %eq3A_814 : i32 to vector<16xi32>
    %eq3A_816 = arith.cmpi eq, %get3A_813, %eq3A_815 : vector<16xi32>
    %eq3A_817 = arith.constant 1 : i32
    %eq3A_818 = vector.broadcast %eq3A_817 : i32 to vector<16xi32>
    %eq3A_819 = arith.cmpi eq, %get3A_813, %eq3A_818 : vector<16xi32>
    %select_n3A_820 = arith.select %eq3A_819, %get3A_44, %get3A_52 : vector<16xi1>, vector<16xf32>
    %select_n3A_821 = arith.select %eq3A_816, %get3A_36, %select_n3A_820 : vector<16xi1>, vector<16xf32>
    %select_n3A_822 = arith.select %eq3A_819, %get3A_48, %get3A_56 : vector<16xi1>, vector<16xf32>
    %select_n3A_823 = arith.select %eq3A_816, %get3A_40, %select_n3A_822 : vector<16xi1>, vector<16xf32>
    %add3A_824 = arith.constant 1280 : i32
    %add3A_825 = vector.broadcast %add3A_824 : i32 to vector<16xi32>
    %add3A_826 = arith.addi %mul3A_33, %add3A_825 : vector<16xi32>
    tpu.vector_store_idx %arg7[%add3A_826], %select_n3A_821 : memref<2048xf32, #tpu.memory_space<vmem>>[vector<16xi32>], vector<16xf32>,
    %add3A_827 = arith.constant 1281 : i32
    %add3A_828 = vector.broadcast %add3A_827 : i32 to vector<16xi32>
    %add3A_829 = arith.addi %mul3A_33, %add3A_828 : vector<16xi32>
    tpu.vector_store_idx %arg7[%add3A_829], %select_n3A_823 : memref<2048xf32, #tpu.memory_space<vmem>>[vector<16xi32>], vector<16xf32>,
    %get3A_830 = arith.constant 656 : index
    %get3A_831 = tpu.vector_load %arg5[%get3A_830] {strides = array<i32>} : memref<1024xi32, #tpu.memory_space<vmem>>, vector<16xi32>,
    %eq3A_832 = arith.constant 0 : i32
    %eq3A_833 = vector.broadcast %eq3A_832 : i32 to vector<16xi32>
    %eq3A_834 = arith.cmpi eq, %get3A_831, %eq3A_833 : vector<16xi32>
    %eq3A_835 = arith.constant 1 : i32
    %eq3A_836 = vector.broadcast %eq3A_835 : i32 to vector<16xi32>
    %eq3A_837 = arith.cmpi eq, %get3A_831, %eq3A_836 : vector<16xi32>
    %select_n3A_838 = arith.select %eq3A_837, %get3A_44, %get3A_52 : vector<16xi1>, vector<16xf32>
    %select_n3A_839 = arith.select %eq3A_834, %get3A_36, %select_n3A_838 : vector<16xi1>, vector<16xf32>
    %select_n3A_840 = arith.select %eq3A_837, %get3A_48, %get3A_56 : vector<16xi1>, vector<16xf32>
    %select_n3A_841 = arith.select %eq3A_834, %get3A_40, %select_n3A_840 : vector<16xi1>, vector<16xf32>
    %add3A_842 = arith.constant 1312 : i32
    %add3A_843 = vector.broadcast %add3A_842 : i32 to vector<16xi32>
    %add3A_844 = arith.addi %mul3A_33, %add3A_843 : vector<16xi32>
    tpu.vector_store_idx %arg7[%add3A_844], %select_n3A_839 : memref<2048xf32, #tpu.memory_space<vmem>>[vector<16xi32>], vector<16xf32>,
    %add3A_845 = arith.constant 1313 : i32
    %add3A_846 = vector.broadcast %add3A_845 : i32 to vector<16xi32>
    %add3A_847 = arith.addi %mul3A_33, %add3A_846 : vector<16xi32>
    tpu.vector_store_idx %arg7[%add3A_847], %select_n3A_841 : memref<2048xf32, #tpu.memory_space<vmem>>[vector<16xi32>], vector<16xf32>,
    %get3A_848 = arith.constant 672 : index
    %get3A_849 = tpu.vector_load %arg5[%get3A_848] {strides = array<i32>} : memref<1024xi32, #tpu.memory_space<vmem>>, vector<16xi32>,
    %eq3A_850 = arith.constant 0 : i32
    %eq3A_851 = vector.broadcast %eq3A_850 : i32 to vector<16xi32>
    %eq3A_852 = arith.cmpi eq, %get3A_849, %eq3A_851 : vector<16xi32>
    %eq3A_853 = arith.constant 1 : i32
    %eq3A_854 = vector.broadcast %eq3A_853 : i32 to vector<16xi32>
    %eq3A_855 = arith.cmpi eq, %get3A_849, %eq3A_854 : vector<16xi32>
    %select_n3A_856 = arith.select %eq3A_855, %get3A_44, %get3A_52 : vector<16xi1>, vector<16xf32>
    %select_n3A_857 = arith.select %eq3A_852, %get3A_36, %select_n3A_856 : vector<16xi1>, vector<16xf32>
    %select_n3A_858 = arith.select %eq3A_855, %get3A_48, %get3A_56 : vector<16xi1>, vector<16xf32>
    %select_n3A_859 = arith.select %eq3A_852, %get3A_40, %select_n3A_858 : vector<16xi1>, vector<16xf32>
    %add3A_860 = arith.constant 1344 : i32
    %add3A_861 = vector.broadcast %add3A_860 : i32 to vector<16xi32>
    %add3A_862 = arith.addi %mul3A_33, %add3A_861 : vector<16xi32>
    tpu.vector_store_idx %arg7[%add3A_862], %select_n3A_857 : memref<2048xf32, #tpu.memory_space<vmem>>[vector<16xi32>], vector<16xf32>,
    %add3A_863 = arith.constant 1345 : i32
    %add3A_864 = vector.broadcast %add3A_863 : i32 to vector<16xi32>
    %add3A_865 = arith.addi %mul3A_33, %add3A_864 : vector<16xi32>
    tpu.vector_store_idx %arg7[%add3A_865], %select_n3A_859 : memref<2048xf32, #tpu.memory_space<vmem>>[vector<16xi32>], vector<16xf32>,
    %get3A_866 = arith.constant 688 : index
    %get3A_867 = tpu.vector_load %arg5[%get3A_866] {strides = array<i32>} : memref<1024xi32, #tpu.memory_space<vmem>>, vector<16xi32>,
    %eq3A_868 = arith.constant 0 : i32
    %eq3A_869 = vector.broadcast %eq3A_868 : i32 to vector<16xi32>
    %eq3A_870 = arith.cmpi eq, %get3A_867, %eq3A_869 : vector<16xi32>
    %eq3A_871 = arith.constant 1 : i32
    %eq3A_872 = vector.broadcast %eq3A_871 : i32 to vector<16xi32>
    %eq3A_873 = arith.cmpi eq, %get3A_867, %eq3A_872 : vector<16xi32>
    %select_n3A_874 = arith.select %eq3A_873, %get3A_44, %get3A_52 : vector<16xi1>, vector<16xf32>
    %select_n3A_875 = arith.select %eq3A_870, %get3A_36, %select_n3A_874 : vector<16xi1>, vector<16xf32>
    %select_n3A_876 = arith.select %eq3A_873, %get3A_48, %get3A_56 : vector<16xi1>, vector<16xf32>
    %select_n3A_877 = arith.select %eq3A_870, %get3A_40, %select_n3A_876 : vector<16xi1>, vector<16xf32>
    %add3A_878 = arith.constant 1376 : i32
    %add3A_879 = vector.broadcast %add3A_878 : i32 to vector<16xi32>
    %add3A_880 = arith.addi %mul3A_33, %add3A_879 : vector<16xi32>
    tpu.vector_store_idx %arg7[%add3A_880], %select_n3A_875 : memref<2048xf32, #tpu.memory_space<vmem>>[vector<16xi32>], vector<16xf32>,
    %add3A_881 = arith.constant 1377 : i32
    %add3A_882 = vector.broadcast %add3A_881 : i32 to vector<16xi32>
    %add3A_883 = arith.addi %mul3A_33, %add3A_882 : vector<16xi32>
    tpu.vector_store_idx %arg7[%add3A_883], %select_n3A_877 : memref<2048xf32, #tpu.memory_space<vmem>>[vector<16xi32>], vector<16xf32>,
    %get3A_884 = arith.constant 704 : index
    %get3A_885 = tpu.vector_load %arg5[%get3A_884] {strides = array<i32>} : memref<1024xi32, #tpu.memory_space<vmem>>, vector<16xi32>,
    %eq3A_886 = arith.constant 0 : i32
    %eq3A_887 = vector.broadcast %eq3A_886 : i32 to vector<16xi32>
    %eq3A_888 = arith.cmpi eq, %get3A_885, %eq3A_887 : vector<16xi32>
    %eq3A_889 = arith.constant 1 : i32
    %eq3A_890 = vector.broadcast %eq3A_889 : i32 to vector<16xi32>
    %eq3A_891 = arith.cmpi eq, %get3A_885, %eq3A_890 : vector<16xi32>
    %select_n3A_892 = arith.select %eq3A_891, %get3A_44, %get3A_52 : vector<16xi1>, vector<16xf32>
    %select_n3A_893 = arith.select %eq3A_888, %get3A_36, %select_n3A_892 : vector<16xi1>, vector<16xf32>
    %select_n3A_894 = arith.select %eq3A_891, %get3A_48, %get3A_56 : vector<16xi1>, vector<16xf32>
    %select_n3A_895 = arith.select %eq3A_888, %get3A_40, %select_n3A_894 : vector<16xi1>, vector<16xf32>
    %add3A_896 = arith.constant 1408 : i32
    %add3A_897 = vector.broadcast %add3A_896 : i32 to vector<16xi32>
    %add3A_898 = arith.addi %mul3A_33, %add3A_897 : vector<16xi32>
    tpu.vector_store_idx %arg7[%add3A_898], %select_n3A_893 : memref<2048xf32, #tpu.memory_space<vmem>>[vector<16xi32>], vector<16xf32>,
    %add3A_899 = arith.constant 1409 : i32
    %add3A_900 = vector.broadcast %add3A_899 : i32 to vector<16xi32>
    %add3A_901 = arith.addi %mul3A_33, %add3A_900 : vector<16xi32>
    tpu.vector_store_idx %arg7[%add3A_901], %select_n3A_895 : memref<2048xf32, #tpu.memory_space<vmem>>[vector<16xi32>], vector<16xf32>,
    %get3A_902 = arith.constant 720 : index
    %get3A_903 = tpu.vector_load %arg5[%get3A_902] {strides = array<i32>} : memref<1024xi32, #tpu.memory_space<vmem>>, vector<16xi32>,
    %eq3A_904 = arith.constant 0 : i32
    %eq3A_905 = vector.broadcast %eq3A_904 : i32 to vector<16xi32>
    %eq3A_906 = arith.cmpi eq, %get3A_903, %eq3A_905 : vector<16xi32>
    %eq3A_907 = arith.constant 1 : i32
    %eq3A_908 = vector.broadcast %eq3A_907 : i32 to vector<16xi32>
    %eq3A_909 = arith.cmpi eq, %get3A_903, %eq3A_908 : vector<16xi32>
    %select_n3A_910 = arith.select %eq3A_909, %get3A_44, %get3A_52 : vector<16xi1>, vector<16xf32>
    %select_n3A_911 = arith.select %eq3A_906, %get3A_36, %select_n3A_910 : vector<16xi1>, vector<16xf32>
    %select_n3A_912 = arith.select %eq3A_909, %get3A_48, %get3A_56 : vector<16xi1>, vector<16xf32>
    %select_n3A_913 = arith.select %eq3A_906, %get3A_40, %select_n3A_912 : vector<16xi1>, vector<16xf32>
    %add3A_914 = arith.constant 1440 : i32
    %add3A_915 = vector.broadcast %add3A_914 : i32 to vector<16xi32>
    %add3A_916 = arith.addi %mul3A_33, %add3A_915 : vector<16xi32>
    tpu.vector_store_idx %arg7[%add3A_916], %select_n3A_911 : memref<2048xf32, #tpu.memory_space<vmem>>[vector<16xi32>], vector<16xf32>,
    %add3A_917 = arith.constant 1441 : i32
    %add3A_918 = vector.broadcast %add3A_917 : i32 to vector<16xi32>
    %add3A_919 = arith.addi %mul3A_33, %add3A_918 : vector<16xi32>
    tpu.vector_store_idx %arg7[%add3A_919], %select_n3A_913 : memref<2048xf32, #tpu.memory_space<vmem>>[vector<16xi32>], vector<16xf32>,
    %get3A_920 = arith.constant 736 : index
    %get3A_921 = tpu.vector_load %arg5[%get3A_920] {strides = array<i32>} : memref<1024xi32, #tpu.memory_space<vmem>>, vector<16xi32>,
    %eq3A_922 = arith.constant 0 : i32
    %eq3A_923 = vector.broadcast %eq3A_922 : i32 to vector<16xi32>
    %eq3A_924 = arith.cmpi eq, %get3A_921, %eq3A_923 : vector<16xi32>
    %eq3A_925 = arith.constant 1 : i32
    %eq3A_926 = vector.broadcast %eq3A_925 : i32 to vector<16xi32>
    %eq3A_927 = arith.cmpi eq, %get3A_921, %eq3A_926 : vector<16xi32>
    %select_n3A_928 = arith.select %eq3A_927, %get3A_44, %get3A_52 : vector<16xi1>, vector<16xf32>
    %select_n3A_929 = arith.select %eq3A_924, %get3A_36, %select_n3A_928 : vector<16xi1>, vector<16xf32>
    %select_n3A_930 = arith.select %eq3A_927, %get3A_48, %get3A_56 : vector<16xi1>, vector<16xf32>
    %select_n3A_931 = arith.select %eq3A_924, %get3A_40, %select_n3A_930 : vector<16xi1>, vector<16xf32>
    %add3A_932 = arith.constant 1472 : i32
    %add3A_933 = vector.broadcast %add3A_932 : i32 to vector<16xi32>
    %add3A_934 = arith.addi %mul3A_33, %add3A_933 : vector<16xi32>
    tpu.vector_store_idx %arg7[%add3A_934], %select_n3A_929 : memref<2048xf32, #tpu.memory_space<vmem>>[vector<16xi32>], vector<16xf32>,
    %add3A_935 = arith.constant 1473 : i32
    %add3A_936 = vector.broadcast %add3A_935 : i32 to vector<16xi32>
    %add3A_937 = arith.addi %mul3A_33, %add3A_936 : vector<16xi32>
    tpu.vector_store_idx %arg7[%add3A_937], %select_n3A_931 : memref<2048xf32, #tpu.memory_space<vmem>>[vector<16xi32>], vector<16xf32>,
    %get3A_938 = arith.constant 752 : index
    %get3A_939 = tpu.vector_load %arg5[%get3A_938] {strides = array<i32>} : memref<1024xi32, #tpu.memory_space<vmem>>, vector<16xi32>,
    %eq3A_940 = arith.constant 0 : i32
    %eq3A_941 = vector.broadcast %eq3A_940 : i32 to vector<16xi32>
    %eq3A_942 = arith.cmpi eq, %get3A_939, %eq3A_941 : vector<16xi32>
    %eq3A_943 = arith.constant 1 : i32
    %eq3A_944 = vector.broadcast %eq3A_943 : i32 to vector<16xi32>
    %eq3A_945 = arith.cmpi eq, %get3A_939, %eq3A_944 : vector<16xi32>
    %select_n3A_946 = arith.select %eq3A_945, %get3A_44, %get3A_52 : vector<16xi1>, vector<16xf32>
    %select_n3A_947 = arith.select %eq3A_942, %get3A_36, %select_n3A_946 : vector<16xi1>, vector<16xf32>
    %select_n3A_948 = arith.select %eq3A_945, %get3A_48, %get3A_56 : vector<16xi1>, vector<16xf32>
    %select_n3A_949 = arith.select %eq3A_942, %get3A_40, %select_n3A_948 : vector<16xi1>, vector<16xf32>
    %add3A_950 = arith.constant 1504 : i32
    %add3A_951 = vector.broadcast %add3A_950 : i32 to vector<16xi32>
    %add3A_952 = arith.addi %mul3A_33, %add3A_951 : vector<16xi32>
    tpu.vector_store_idx %arg7[%add3A_952], %select_n3A_947 : memref<2048xf32, #tpu.memory_space<vmem>>[vector<16xi32>], vector<16xf32>,
    %add3A_953 = arith.constant 1505 : i32
    %add3A_954 = vector.broadcast %add3A_953 : i32 to vector<16xi32>
    %add3A_955 = arith.addi %mul3A_33, %add3A_954 : vector<16xi32>
    tpu.vector_store_idx %arg7[%add3A_955], %select_n3A_949 : memref<2048xf32, #tpu.memory_space<vmem>>[vector<16xi32>], vector<16xf32>,
    %mul3A_956 = arith.constant 2 : i32
    %mul3A_957 = arith.muli %mul3A_0, %mul3A_956 : i32
    %add3A_958 = arith.constant 1024 : i32
    %add3A_959 = arith.addi %mul3A_957, %add3A_958 : i32
    %dma_start3A_960 = arith.constant 1024 : i32
    %dma_start3A_961 = tpu.memref_slice %arg7[%dma_start3A_960] : memref<2048xf32, #tpu.memory_space<vmem>> -> memref<512xf32, #tpu.memory_space<vmem>>
    %dma_start3A_962 = tpu.memref_slice %arg4[%add3A_959] : memref<32768xf32, #tpu.memory_space<hbm>> -> memref<512xf32, #tpu.memory_space<hbm>>
    %dma_start3A_963 = tpu.memref_slice %arg4[%add3A_959] : memref<32768xf32, #tpu.memory_space<hbm>> -> memref<512xf32, #tpu.memory_space<hbm>>
    %dma_start3A_964 = arith.constant 1024 : i32
    %dma_start3A_965 = tpu.memref_slice %arg7[%dma_start3A_964] : memref<2048xf32, #tpu.memory_space<vmem>> -> memref<512xf32, #tpu.memory_space<vmem>>
    tpu.enqueue_dma source(%dma_start3A_965 : memref<512xf32, #tpu.memory_space<vmem>>) target(%dma_start3A_963 : memref<512xf32, #tpu.memory_space<hbm>>) target_semaphore(%arg15 : memref<!tpu.dma_semaphore, #tpu.memory_space<semaphore_mem>>)
    %dma_wait3A_966 = arith.constant 768 : i32
    %dma_wait3A_967 = tpu.memref_slice %arg5[%dma_wait3A_966] : memref<1024xi32, #tpu.memory_space<vmem>> -> memref<256xi32, #tpu.memory_space<vmem>>
    %dma_wait3A_968 = tpu.memref_slice %arg2[%add3A_24] : memref<16384xi32, #tpu.memory_space<hbm>> -> memref<256xi32, #tpu.memory_space<hbm>>
    %dma_wait3A_969 = arith.constant 768 : i32
    %dma_wait3A_970 = tpu.memref_slice %arg5[%dma_wait3A_969] : memref<1024xi32, #tpu.memory_space<vmem>> -> memref<256xi32, #tpu.memory_space<vmem>>
    %dma_wait3A_971 = tpu.memref_slice %arg2[%add3A_24] : memref<16384xi32, #tpu.memory_space<hbm>> -> memref<256xi32, #tpu.memory_space<hbm>>
    tpu.wait_dma2 semaphore(%arg12 : memref<!tpu.dma_semaphore, #tpu.memory_space<semaphore_mem>>) src(%dma_wait3A_971 : memref<256xi32, #tpu.memory_space<hbm>>) dst(%dma_wait3A_970 : memref<256xi32, #tpu.memory_space<vmem>>)
    %get3A_972 = arith.constant 768 : index
    %get3A_973 = tpu.vector_load %arg5[%get3A_972] {strides = array<i32>} : memref<1024xi32, #tpu.memory_space<vmem>>, vector<16xi32>,
    %eq3A_974 = arith.constant 0 : i32
    %eq3A_975 = vector.broadcast %eq3A_974 : i32 to vector<16xi32>
    %eq3A_976 = arith.cmpi eq, %get3A_973, %eq3A_975 : vector<16xi32>
    %eq3A_977 = arith.constant 1 : i32
    %eq3A_978 = vector.broadcast %eq3A_977 : i32 to vector<16xi32>
    %eq3A_979 = arith.cmpi eq, %get3A_973, %eq3A_978 : vector<16xi32>
    %select_n3A_980 = arith.select %eq3A_979, %get3A_44, %get3A_52 : vector<16xi1>, vector<16xf32>
    %select_n3A_981 = arith.select %eq3A_976, %get3A_36, %select_n3A_980 : vector<16xi1>, vector<16xf32>
    %select_n3A_982 = arith.select %eq3A_979, %get3A_48, %get3A_56 : vector<16xi1>, vector<16xf32>
    %select_n3A_983 = arith.select %eq3A_976, %get3A_40, %select_n3A_982 : vector<16xi1>, vector<16xf32>
    %add3A_984 = arith.constant 1536 : i32
    %add3A_985 = vector.broadcast %add3A_984 : i32 to vector<16xi32>
    %add3A_986 = arith.addi %mul3A_33, %add3A_985 : vector<16xi32>
    tpu.vector_store_idx %arg7[%add3A_986], %select_n3A_981 : memref<2048xf32, #tpu.memory_space<vmem>>[vector<16xi32>], vector<16xf32>,
    %add3A_987 = arith.constant 1537 : i32
    %add3A_988 = vector.broadcast %add3A_987 : i32 to vector<16xi32>
    %add3A_989 = arith.addi %mul3A_33, %add3A_988 : vector<16xi32>
    tpu.vector_store_idx %arg7[%add3A_989], %select_n3A_983 : memref<2048xf32, #tpu.memory_space<vmem>>[vector<16xi32>], vector<16xf32>,
    %get3A_990 = arith.constant 784 : index
    %get3A_991 = tpu.vector_load %arg5[%get3A_990] {strides = array<i32>} : memref<1024xi32, #tpu.memory_space<vmem>>, vector<16xi32>,
    %eq3A_992 = arith.constant 0 : i32
    %eq3A_993 = vector.broadcast %eq3A_992 : i32 to vector<16xi32>
    %eq3A_994 = arith.cmpi eq, %get3A_991, %eq3A_993 : vector<16xi32>
    %eq3A_995 = arith.constant 1 : i32
    %eq3A_996 = vector.broadcast %eq3A_995 : i32 to vector<16xi32>
    %eq3A_997 = arith.cmpi eq, %get3A_991, %eq3A_996 : vector<16xi32>
    %select_n3A_998 = arith.select %eq3A_997, %get3A_44, %get3A_52 : vector<16xi1>, vector<16xf32>
    %select_n3A_999 = arith.select %eq3A_994, %get3A_36, %select_n3A_998 : vector<16xi1>, vector<16xf32>
    %select_n3A_1000 = arith.select %eq3A_997, %get3A_48, %get3A_56 : vector<16xi1>, vector<16xf32>
    %select_n3A_1001 = arith.select %eq3A_994, %get3A_40, %select_n3A_1000 : vector<16xi1>, vector<16xf32>
    %add3A_1002 = arith.constant 1568 : i32
    %add3A_1003 = vector.broadcast %add3A_1002 : i32 to vector<16xi32>
    %add3A_1004 = arith.addi %mul3A_33, %add3A_1003 : vector<16xi32>
    tpu.vector_store_idx %arg7[%add3A_1004], %select_n3A_999 : memref<2048xf32, #tpu.memory_space<vmem>>[vector<16xi32>], vector<16xf32>,
    %add3A_1005 = arith.constant 1569 : i32
    %add3A_1006 = vector.broadcast %add3A_1005 : i32 to vector<16xi32>
    %add3A_1007 = arith.addi %mul3A_33, %add3A_1006 : vector<16xi32>
    tpu.vector_store_idx %arg7[%add3A_1007], %select_n3A_1001 : memref<2048xf32, #tpu.memory_space<vmem>>[vector<16xi32>], vector<16xf32>,
    %get3A_1008 = arith.constant 800 : index
    %get3A_1009 = tpu.vector_load %arg5[%get3A_1008] {strides = array<i32>} : memref<1024xi32, #tpu.memory_space<vmem>>, vector<16xi32>,
    %eq3A_1010 = arith.constant 0 : i32
    %eq3A_1011 = vector.broadcast %eq3A_1010 : i32 to vector<16xi32>
    %eq3A_1012 = arith.cmpi eq, %get3A_1009, %eq3A_1011 : vector<16xi32>
    %eq3A_1013 = arith.constant 1 : i32
    %eq3A_1014 = vector.broadcast %eq3A_1013 : i32 to vector<16xi32>
    %eq3A_1015 = arith.cmpi eq, %get3A_1009, %eq3A_1014 : vector<16xi32>
    %select_n3A_1016 = arith.select %eq3A_1015, %get3A_44, %get3A_52 : vector<16xi1>, vector<16xf32>
    %select_n3A_1017 = arith.select %eq3A_1012, %get3A_36, %select_n3A_1016 : vector<16xi1>, vector<16xf32>
    %select_n3A_1018 = arith.select %eq3A_1015, %get3A_48, %get3A_56 : vector<16xi1>, vector<16xf32>
    %select_n3A_1019 = arith.select %eq3A_1012, %get3A_40, %select_n3A_1018 : vector<16xi1>, vector<16xf32>
    %add3A_1020 = arith.constant 1600 : i32
    %add3A_1021 = vector.broadcast %add3A_1020 : i32 to vector<16xi32>
    %add3A_1022 = arith.addi %mul3A_33, %add3A_1021 : vector<16xi32>
    tpu.vector_store_idx %arg7[%add3A_1022], %select_n3A_1017 : memref<2048xf32, #tpu.memory_space<vmem>>[vector<16xi32>], vector<16xf32>,
    %add3A_1023 = arith.constant 1601 : i32
    %add3A_1024 = vector.broadcast %add3A_1023 : i32 to vector<16xi32>
    %add3A_1025 = arith.addi %mul3A_33, %add3A_1024 : vector<16xi32>
    tpu.vector_store_idx %arg7[%add3A_1025], %select_n3A_1019 : memref<2048xf32, #tpu.memory_space<vmem>>[vector<16xi32>], vector<16xf32>,
    %get3A_1026 = arith.constant 816 : index
    %get3A_1027 = tpu.vector_load %arg5[%get3A_1026] {strides = array<i32>} : memref<1024xi32, #tpu.memory_space<vmem>>, vector<16xi32>,
    %eq3A_1028 = arith.constant 0 : i32
    %eq3A_1029 = vector.broadcast %eq3A_1028 : i32 to vector<16xi32>
    %eq3A_1030 = arith.cmpi eq, %get3A_1027, %eq3A_1029 : vector<16xi32>
    %eq3A_1031 = arith.constant 1 : i32
    %eq3A_1032 = vector.broadcast %eq3A_1031 : i32 to vector<16xi32>
    %eq3A_1033 = arith.cmpi eq, %get3A_1027, %eq3A_1032 : vector<16xi32>
    %select_n3A_1034 = arith.select %eq3A_1033, %get3A_44, %get3A_52 : vector<16xi1>, vector<16xf32>
    %select_n3A_1035 = arith.select %eq3A_1030, %get3A_36, %select_n3A_1034 : vector<16xi1>, vector<16xf32>
    %select_n3A_1036 = arith.select %eq3A_1033, %get3A_48, %get3A_56 : vector<16xi1>, vector<16xf32>
    %select_n3A_1037 = arith.select %eq3A_1030, %get3A_40, %select_n3A_1036 : vector<16xi1>, vector<16xf32>
    %add3A_1038 = arith.constant 1632 : i32
    %add3A_1039 = vector.broadcast %add3A_1038 : i32 to vector<16xi32>
    %add3A_1040 = arith.addi %mul3A_33, %add3A_1039 : vector<16xi32>
    tpu.vector_store_idx %arg7[%add3A_1040], %select_n3A_1035 : memref<2048xf32, #tpu.memory_space<vmem>>[vector<16xi32>], vector<16xf32>,
    %add3A_1041 = arith.constant 1633 : i32
    %add3A_1042 = vector.broadcast %add3A_1041 : i32 to vector<16xi32>
    %add3A_1043 = arith.addi %mul3A_33, %add3A_1042 : vector<16xi32>
    tpu.vector_store_idx %arg7[%add3A_1043], %select_n3A_1037 : memref<2048xf32, #tpu.memory_space<vmem>>[vector<16xi32>], vector<16xf32>,
    %get3A_1044 = arith.constant 832 : index
    %get3A_1045 = tpu.vector_load %arg5[%get3A_1044] {strides = array<i32>} : memref<1024xi32, #tpu.memory_space<vmem>>, vector<16xi32>,
    %eq3A_1046 = arith.constant 0 : i32
    %eq3A_1047 = vector.broadcast %eq3A_1046 : i32 to vector<16xi32>
    %eq3A_1048 = arith.cmpi eq, %get3A_1045, %eq3A_1047 : vector<16xi32>
    %eq3A_1049 = arith.constant 1 : i32
    %eq3A_1050 = vector.broadcast %eq3A_1049 : i32 to vector<16xi32>
    %eq3A_1051 = arith.cmpi eq, %get3A_1045, %eq3A_1050 : vector<16xi32>
    %select_n3A_1052 = arith.select %eq3A_1051, %get3A_44, %get3A_52 : vector<16xi1>, vector<16xf32>
    %select_n3A_1053 = arith.select %eq3A_1048, %get3A_36, %select_n3A_1052 : vector<16xi1>, vector<16xf32>
    %select_n3A_1054 = arith.select %eq3A_1051, %get3A_48, %get3A_56 : vector<16xi1>, vector<16xf32>
    %select_n3A_1055 = arith.select %eq3A_1048, %get3A_40, %select_n3A_1054 : vector<16xi1>, vector<16xf32>
    %add3A_1056 = arith.constant 1664 : i32
    %add3A_1057 = vector.broadcast %add3A_1056 : i32 to vector<16xi32>
    %add3A_1058 = arith.addi %mul3A_33, %add3A_1057 : vector<16xi32>
    tpu.vector_store_idx %arg7[%add3A_1058], %select_n3A_1053 : memref<2048xf32, #tpu.memory_space<vmem>>[vector<16xi32>], vector<16xf32>,
    %add3A_1059 = arith.constant 1665 : i32
    %add3A_1060 = vector.broadcast %add3A_1059 : i32 to vector<16xi32>
    %add3A_1061 = arith.addi %mul3A_33, %add3A_1060 : vector<16xi32>
    tpu.vector_store_idx %arg7[%add3A_1061], %select_n3A_1055 : memref<2048xf32, #tpu.memory_space<vmem>>[vector<16xi32>], vector<16xf32>,
    %get3A_1062 = arith.constant 848 : index
    %get3A_1063 = tpu.vector_load %arg5[%get3A_1062] {strides = array<i32>} : memref<1024xi32, #tpu.memory_space<vmem>>, vector<16xi32>,
    %eq3A_1064 = arith.constant 0 : i32
    %eq3A_1065 = vector.broadcast %eq3A_1064 : i32 to vector<16xi32>
    %eq3A_1066 = arith.cmpi eq, %get3A_1063, %eq3A_1065 : vector<16xi32>
    %eq3A_1067 = arith.constant 1 : i32
    %eq3A_1068 = vector.broadcast %eq3A_1067 : i32 to vector<16xi32>
    %eq3A_1069 = arith.cmpi eq, %get3A_1063, %eq3A_1068 : vector<16xi32>
    %select_n3A_1070 = arith.select %eq3A_1069, %get3A_44, %get3A_52 : vector<16xi1>, vector<16xf32>
    %select_n3A_1071 = arith.select %eq3A_1066, %get3A_36, %select_n3A_1070 : vector<16xi1>, vector<16xf32>
    %select_n3A_1072 = arith.select %eq3A_1069, %get3A_48, %get3A_56 : vector<16xi1>, vector<16xf32>
    %select_n3A_1073 = arith.select %eq3A_1066, %get3A_40, %select_n3A_1072 : vector<16xi1>, vector<16xf32>
    %add3A_1074 = arith.constant 1696 : i32
    %add3A_1075 = vector.broadcast %add3A_1074 : i32 to vector<16xi32>
    %add3A_1076 = arith.addi %mul3A_33, %add3A_1075 : vector<16xi32>
    tpu.vector_store_idx %arg7[%add3A_1076], %select_n3A_1071 : memref<2048xf32, #tpu.memory_space<vmem>>[vector<16xi32>], vector<16xf32>,
    %add3A_1077 = arith.constant 1697 : i32
    %add3A_1078 = vector.broadcast %add3A_1077 : i32 to vector<16xi32>
    %add3A_1079 = arith.addi %mul3A_33, %add3A_1078 : vector<16xi32>
    tpu.vector_store_idx %arg7[%add3A_1079], %select_n3A_1073 : memref<2048xf32, #tpu.memory_space<vmem>>[vector<16xi32>], vector<16xf32>,
    %get3A_1080 = arith.constant 864 : index
    %get3A_1081 = tpu.vector_load %arg5[%get3A_1080] {strides = array<i32>} : memref<1024xi32, #tpu.memory_space<vmem>>, vector<16xi32>,
    %eq3A_1082 = arith.constant 0 : i32
    %eq3A_1083 = vector.broadcast %eq3A_1082 : i32 to vector<16xi32>
    %eq3A_1084 = arith.cmpi eq, %get3A_1081, %eq3A_1083 : vector<16xi32>
    %eq3A_1085 = arith.constant 1 : i32
    %eq3A_1086 = vector.broadcast %eq3A_1085 : i32 to vector<16xi32>
    %eq3A_1087 = arith.cmpi eq, %get3A_1081, %eq3A_1086 : vector<16xi32>
    %select_n3A_1088 = arith.select %eq3A_1087, %get3A_44, %get3A_52 : vector<16xi1>, vector<16xf32>
    %select_n3A_1089 = arith.select %eq3A_1084, %get3A_36, %select_n3A_1088 : vector<16xi1>, vector<16xf32>
    %select_n3A_1090 = arith.select %eq3A_1087, %get3A_48, %get3A_56 : vector<16xi1>, vector<16xf32>
    %select_n3A_1091 = arith.select %eq3A_1084, %get3A_40, %select_n3A_1090 : vector<16xi1>, vector<16xf32>
    %add3A_1092 = arith.constant 1728 : i32
    %add3A_1093 = vector.broadcast %add3A_1092 : i32 to vector<16xi32>
    %add3A_1094 = arith.addi %mul3A_33, %add3A_1093 : vector<16xi32>
    tpu.vector_store_idx %arg7[%add3A_1094], %select_n3A_1089 : memref<2048xf32, #tpu.memory_space<vmem>>[vector<16xi32>], vector<16xf32>,
    %add3A_1095 = arith.constant 1729 : i32
    %add3A_1096 = vector.broadcast %add3A_1095 : i32 to vector<16xi32>
    %add3A_1097 = arith.addi %mul3A_33, %add3A_1096 : vector<16xi32>
    tpu.vector_store_idx %arg7[%add3A_1097], %select_n3A_1091 : memref<2048xf32, #tpu.memory_space<vmem>>[vector<16xi32>], vector<16xf32>,
    %get3A_1098 = arith.constant 880 : index
    %get3A_1099 = tpu.vector_load %arg5[%get3A_1098] {strides = array<i32>} : memref<1024xi32, #tpu.memory_space<vmem>>, vector<16xi32>,
    %eq3A_1100 = arith.constant 0 : i32
    %eq3A_1101 = vector.broadcast %eq3A_1100 : i32 to vector<16xi32>
    %eq3A_1102 = arith.cmpi eq, %get3A_1099, %eq3A_1101 : vector<16xi32>
    %eq3A_1103 = arith.constant 1 : i32
    %eq3A_1104 = vector.broadcast %eq3A_1103 : i32 to vector<16xi32>
    %eq3A_1105 = arith.cmpi eq, %get3A_1099, %eq3A_1104 : vector<16xi32>
    %select_n3A_1106 = arith.select %eq3A_1105, %get3A_44, %get3A_52 : vector<16xi1>, vector<16xf32>
    %select_n3A_1107 = arith.select %eq3A_1102, %get3A_36, %select_n3A_1106 : vector<16xi1>, vector<16xf32>
    %select_n3A_1108 = arith.select %eq3A_1105, %get3A_48, %get3A_56 : vector<16xi1>, vector<16xf32>
    %select_n3A_1109 = arith.select %eq3A_1102, %get3A_40, %select_n3A_1108 : vector<16xi1>, vector<16xf32>
    %add3A_1110 = arith.constant 1760 : i32
    %add3A_1111 = vector.broadcast %add3A_1110 : i32 to vector<16xi32>
    %add3A_1112 = arith.addi %mul3A_33, %add3A_1111 : vector<16xi32>
    tpu.vector_store_idx %arg7[%add3A_1112], %select_n3A_1107 : memref<2048xf32, #tpu.memory_space<vmem>>[vector<16xi32>], vector<16xf32>,
    %add3A_1113 = arith.constant 1761 : i32
    %add3A_1114 = vector.broadcast %add3A_1113 : i32 to vector<16xi32>
    %add3A_1115 = arith.addi %mul3A_33, %add3A_1114 : vector<16xi32>
    tpu.vector_store_idx %arg7[%add3A_1115], %select_n3A_1109 : memref<2048xf32, #tpu.memory_space<vmem>>[vector<16xi32>], vector<16xf32>,
    %get3A_1116 = arith.constant 896 : index
    %get3A_1117 = tpu.vector_load %arg5[%get3A_1116] {strides = array<i32>} : memref<1024xi32, #tpu.memory_space<vmem>>, vector<16xi32>,
    %eq3A_1118 = arith.constant 0 : i32
    %eq3A_1119 = vector.broadcast %eq3A_1118 : i32 to vector<16xi32>
    %eq3A_1120 = arith.cmpi eq, %get3A_1117, %eq3A_1119 : vector<16xi32>
    %eq3A_1121 = arith.constant 1 : i32
    %eq3A_1122 = vector.broadcast %eq3A_1121 : i32 to vector<16xi32>
    %eq3A_1123 = arith.cmpi eq, %get3A_1117, %eq3A_1122 : vector<16xi32>
    %select_n3A_1124 = arith.select %eq3A_1123, %get3A_44, %get3A_52 : vector<16xi1>, vector<16xf32>
    %select_n3A_1125 = arith.select %eq3A_1120, %get3A_36, %select_n3A_1124 : vector<16xi1>, vector<16xf32>
    %select_n3A_1126 = arith.select %eq3A_1123, %get3A_48, %get3A_56 : vector<16xi1>, vector<16xf32>
    %select_n3A_1127 = arith.select %eq3A_1120, %get3A_40, %select_n3A_1126 : vector<16xi1>, vector<16xf32>
    %add3A_1128 = arith.constant 1792 : i32
    %add3A_1129 = vector.broadcast %add3A_1128 : i32 to vector<16xi32>
    %add3A_1130 = arith.addi %mul3A_33, %add3A_1129 : vector<16xi32>
    tpu.vector_store_idx %arg7[%add3A_1130], %select_n3A_1125 : memref<2048xf32, #tpu.memory_space<vmem>>[vector<16xi32>], vector<16xf32>,
    %add3A_1131 = arith.constant 1793 : i32
    %add3A_1132 = vector.broadcast %add3A_1131 : i32 to vector<16xi32>
    %add3A_1133 = arith.addi %mul3A_33, %add3A_1132 : vector<16xi32>
    tpu.vector_store_idx %arg7[%add3A_1133], %select_n3A_1127 : memref<2048xf32, #tpu.memory_space<vmem>>[vector<16xi32>], vector<16xf32>,
    %get3A_1134 = arith.constant 912 : index
    %get3A_1135 = tpu.vector_load %arg5[%get3A_1134] {strides = array<i32>} : memref<1024xi32, #tpu.memory_space<vmem>>, vector<16xi32>,
    %eq3A_1136 = arith.constant 0 : i32
    %eq3A_1137 = vector.broadcast %eq3A_1136 : i32 to vector<16xi32>
    %eq3A_1138 = arith.cmpi eq, %get3A_1135, %eq3A_1137 : vector<16xi32>
    %eq3A_1139 = arith.constant 1 : i32
    %eq3A_1140 = vector.broadcast %eq3A_1139 : i32 to vector<16xi32>
    %eq3A_1141 = arith.cmpi eq, %get3A_1135, %eq3A_1140 : vector<16xi32>
    %select_n3A_1142 = arith.select %eq3A_1141, %get3A_44, %get3A_52 : vector<16xi1>, vector<16xf32>
    %select_n3A_1143 = arith.select %eq3A_1138, %get3A_36, %select_n3A_1142 : vector<16xi1>, vector<16xf32>
    %select_n3A_1144 = arith.select %eq3A_1141, %get3A_48, %get3A_56 : vector<16xi1>, vector<16xf32>
    %select_n3A_1145 = arith.select %eq3A_1138, %get3A_40, %select_n3A_1144 : vector<16xi1>, vector<16xf32>
    %add3A_1146 = arith.constant 1824 : i32
    %add3A_1147 = vector.broadcast %add3A_1146 : i32 to vector<16xi32>
    %add3A_1148 = arith.addi %mul3A_33, %add3A_1147 : vector<16xi32>
    tpu.vector_store_idx %arg7[%add3A_1148], %select_n3A_1143 : memref<2048xf32, #tpu.memory_space<vmem>>[vector<16xi32>], vector<16xf32>,
    %add3A_1149 = arith.constant 1825 : i32
    %add3A_1150 = vector.broadcast %add3A_1149 : i32 to vector<16xi32>
    %add3A_1151 = arith.addi %mul3A_33, %add3A_1150 : vector<16xi32>
    tpu.vector_store_idx %arg7[%add3A_1151], %select_n3A_1145 : memref<2048xf32, #tpu.memory_space<vmem>>[vector<16xi32>], vector<16xf32>,
    %get3A_1152 = arith.constant 928 : index
    %get3A_1153 = tpu.vector_load %arg5[%get3A_1152] {strides = array<i32>} : memref<1024xi32, #tpu.memory_space<vmem>>, vector<16xi32>,
    %eq3A_1154 = arith.constant 0 : i32
    %eq3A_1155 = vector.broadcast %eq3A_1154 : i32 to vector<16xi32>
    %eq3A_1156 = arith.cmpi eq, %get3A_1153, %eq3A_1155 : vector<16xi32>
    %eq3A_1157 = arith.constant 1 : i32
    %eq3A_1158 = vector.broadcast %eq3A_1157 : i32 to vector<16xi32>
    %eq3A_1159 = arith.cmpi eq, %get3A_1153, %eq3A_1158 : vector<16xi32>
    %select_n3A_1160 = arith.select %eq3A_1159, %get3A_44, %get3A_52 : vector<16xi1>, vector<16xf32>
    %select_n3A_1161 = arith.select %eq3A_1156, %get3A_36, %select_n3A_1160 : vector<16xi1>, vector<16xf32>
    %select_n3A_1162 = arith.select %eq3A_1159, %get3A_48, %get3A_56 : vector<16xi1>, vector<16xf32>
    %select_n3A_1163 = arith.select %eq3A_1156, %get3A_40, %select_n3A_1162 : vector<16xi1>, vector<16xf32>
    %add3A_1164 = arith.constant 1856 : i32
    %add3A_1165 = vector.broadcast %add3A_1164 : i32 to vector<16xi32>
    %add3A_1166 = arith.addi %mul3A_33, %add3A_1165 : vector<16xi32>
    tpu.vector_store_idx %arg7[%add3A_1166], %select_n3A_1161 : memref<2048xf32, #tpu.memory_space<vmem>>[vector<16xi32>], vector<16xf32>,
    %add3A_1167 = arith.constant 1857 : i32
    %add3A_1168 = vector.broadcast %add3A_1167 : i32 to vector<16xi32>
    %add3A_1169 = arith.addi %mul3A_33, %add3A_1168 : vector<16xi32>
    tpu.vector_store_idx %arg7[%add3A_1169], %select_n3A_1163 : memref<2048xf32, #tpu.memory_space<vmem>>[vector<16xi32>], vector<16xf32>,
    %get3A_1170 = arith.constant 944 : index
    %get3A_1171 = tpu.vector_load %arg5[%get3A_1170] {strides = array<i32>} : memref<1024xi32, #tpu.memory_space<vmem>>, vector<16xi32>,
    %eq3A_1172 = arith.constant 0 : i32
    %eq3A_1173 = vector.broadcast %eq3A_1172 : i32 to vector<16xi32>
    %eq3A_1174 = arith.cmpi eq, %get3A_1171, %eq3A_1173 : vector<16xi32>
    %eq3A_1175 = arith.constant 1 : i32
    %eq3A_1176 = vector.broadcast %eq3A_1175 : i32 to vector<16xi32>
    %eq3A_1177 = arith.cmpi eq, %get3A_1171, %eq3A_1176 : vector<16xi32>
    %select_n3A_1178 = arith.select %eq3A_1177, %get3A_44, %get3A_52 : vector<16xi1>, vector<16xf32>
    %select_n3A_1179 = arith.select %eq3A_1174, %get3A_36, %select_n3A_1178 : vector<16xi1>, vector<16xf32>
    %select_n3A_1180 = arith.select %eq3A_1177, %get3A_48, %get3A_56 : vector<16xi1>, vector<16xf32>
    %select_n3A_1181 = arith.select %eq3A_1174, %get3A_40, %select_n3A_1180 : vector<16xi1>, vector<16xf32>
    %add3A_1182 = arith.constant 1888 : i32
    %add3A_1183 = vector.broadcast %add3A_1182 : i32 to vector<16xi32>
    %add3A_1184 = arith.addi %mul3A_33, %add3A_1183 : vector<16xi32>
    tpu.vector_store_idx %arg7[%add3A_1184], %select_n3A_1179 : memref<2048xf32, #tpu.memory_space<vmem>>[vector<16xi32>], vector<16xf32>,
    %add3A_1185 = arith.constant 1889 : i32
    %add3A_1186 = vector.broadcast %add3A_1185 : i32 to vector<16xi32>
    %add3A_1187 = arith.addi %mul3A_33, %add3A_1186 : vector<16xi32>
    tpu.vector_store_idx %arg7[%add3A_1187], %select_n3A_1181 : memref<2048xf32, #tpu.memory_space<vmem>>[vector<16xi32>], vector<16xf32>,
    %get3A_1188 = arith.constant 960 : index
    %get3A_1189 = tpu.vector_load %arg5[%get3A_1188] {strides = array<i32>} : memref<1024xi32, #tpu.memory_space<vmem>>, vector<16xi32>,
    %eq3A_1190 = arith.constant 0 : i32
    %eq3A_1191 = vector.broadcast %eq3A_1190 : i32 to vector<16xi32>
    %eq3A_1192 = arith.cmpi eq, %get3A_1189, %eq3A_1191 : vector<16xi32>
    %eq3A_1193 = arith.constant 1 : i32
    %eq3A_1194 = vector.broadcast %eq3A_1193 : i32 to vector<16xi32>
    %eq3A_1195 = arith.cmpi eq, %get3A_1189, %eq3A_1194 : vector<16xi32>
    %select_n3A_1196 = arith.select %eq3A_1195, %get3A_44, %get3A_52 : vector<16xi1>, vector<16xf32>
    %select_n3A_1197 = arith.select %eq3A_1192, %get3A_36, %select_n3A_1196 : vector<16xi1>, vector<16xf32>
    %select_n3A_1198 = arith.select %eq3A_1195, %get3A_48, %get3A_56 : vector<16xi1>, vector<16xf32>
    %select_n3A_1199 = arith.select %eq3A_1192, %get3A_40, %select_n3A_1198 : vector<16xi1>, vector<16xf32>
    %add3A_1200 = arith.constant 1920 : i32
    %add3A_1201 = vector.broadcast %add3A_1200 : i32 to vector<16xi32>
    %add3A_1202 = arith.addi %mul3A_33, %add3A_1201 : vector<16xi32>
    tpu.vector_store_idx %arg7[%add3A_1202], %select_n3A_1197 : memref<2048xf32, #tpu.memory_space<vmem>>[vector<16xi32>], vector<16xf32>,
    %add3A_1203 = arith.constant 1921 : i32
    %add3A_1204 = vector.broadcast %add3A_1203 : i32 to vector<16xi32>
    %add3A_1205 = arith.addi %mul3A_33, %add3A_1204 : vector<16xi32>
    tpu.vector_store_idx %arg7[%add3A_1205], %select_n3A_1199 : memref<2048xf32, #tpu.memory_space<vmem>>[vector<16xi32>], vector<16xf32>,
    %get3A_1206 = arith.constant 976 : index
    %get3A_1207 = tpu.vector_load %arg5[%get3A_1206] {strides = array<i32>} : memref<1024xi32, #tpu.memory_space<vmem>>, vector<16xi32>,
    %eq3A_1208 = arith.constant 0 : i32
    %eq3A_1209 = vector.broadcast %eq3A_1208 : i32 to vector<16xi32>
    %eq3A_1210 = arith.cmpi eq, %get3A_1207, %eq3A_1209 : vector<16xi32>
    %eq3A_1211 = arith.constant 1 : i32
    %eq3A_1212 = vector.broadcast %eq3A_1211 : i32 to vector<16xi32>
    %eq3A_1213 = arith.cmpi eq, %get3A_1207, %eq3A_1212 : vector<16xi32>
    %select_n3A_1214 = arith.select %eq3A_1213, %get3A_44, %get3A_52 : vector<16xi1>, vector<16xf32>
    %select_n3A_1215 = arith.select %eq3A_1210, %get3A_36, %select_n3A_1214 : vector<16xi1>, vector<16xf32>
    %select_n3A_1216 = arith.select %eq3A_1213, %get3A_48, %get3A_56 : vector<16xi1>, vector<16xf32>
    %select_n3A_1217 = arith.select %eq3A_1210, %get3A_40, %select_n3A_1216 : vector<16xi1>, vector<16xf32>
    %add3A_1218 = arith.constant 1952 : i32
    %add3A_1219 = vector.broadcast %add3A_1218 : i32 to vector<16xi32>
    %add3A_1220 = arith.addi %mul3A_33, %add3A_1219 : vector<16xi32>
    tpu.vector_store_idx %arg7[%add3A_1220], %select_n3A_1215 : memref<2048xf32, #tpu.memory_space<vmem>>[vector<16xi32>], vector<16xf32>,
    %add3A_1221 = arith.constant 1953 : i32
    %add3A_1222 = vector.broadcast %add3A_1221 : i32 to vector<16xi32>
    %add3A_1223 = arith.addi %mul3A_33, %add3A_1222 : vector<16xi32>
    tpu.vector_store_idx %arg7[%add3A_1223], %select_n3A_1217 : memref<2048xf32, #tpu.memory_space<vmem>>[vector<16xi32>], vector<16xf32>,
    %get3A_1224 = arith.constant 992 : index
    %get3A_1225 = tpu.vector_load %arg5[%get3A_1224] {strides = array<i32>} : memref<1024xi32, #tpu.memory_space<vmem>>, vector<16xi32>,
    %eq3A_1226 = arith.constant 0 : i32
    %eq3A_1227 = vector.broadcast %eq3A_1226 : i32 to vector<16xi32>
    %eq3A_1228 = arith.cmpi eq, %get3A_1225, %eq3A_1227 : vector<16xi32>
    %eq3A_1229 = arith.constant 1 : i32
    %eq3A_1230 = vector.broadcast %eq3A_1229 : i32 to vector<16xi32>
    %eq3A_1231 = arith.cmpi eq, %get3A_1225, %eq3A_1230 : vector<16xi32>
    %select_n3A_1232 = arith.select %eq3A_1231, %get3A_44, %get3A_52 : vector<16xi1>, vector<16xf32>
    %select_n3A_1233 = arith.select %eq3A_1228, %get3A_36, %select_n3A_1232 : vector<16xi1>, vector<16xf32>
    %select_n3A_1234 = arith.select %eq3A_1231, %get3A_48, %get3A_56 : vector<16xi1>, vector<16xf32>
    %select_n3A_1235 = arith.select %eq3A_1228, %get3A_40, %select_n3A_1234 : vector<16xi1>, vector<16xf32>
    %add3A_1236 = arith.constant 1984 : i32
    %add3A_1237 = vector.broadcast %add3A_1236 : i32 to vector<16xi32>
    %add3A_1238 = arith.addi %mul3A_33, %add3A_1237 : vector<16xi32>
    tpu.vector_store_idx %arg7[%add3A_1238], %select_n3A_1233 : memref<2048xf32, #tpu.memory_space<vmem>>[vector<16xi32>], vector<16xf32>,
    %add3A_1239 = arith.constant 1985 : i32
    %add3A_1240 = vector.broadcast %add3A_1239 : i32 to vector<16xi32>
    %add3A_1241 = arith.addi %mul3A_33, %add3A_1240 : vector<16xi32>
    tpu.vector_store_idx %arg7[%add3A_1241], %select_n3A_1235 : memref<2048xf32, #tpu.memory_space<vmem>>[vector<16xi32>], vector<16xf32>,
    %get3A_1242 = arith.constant 1008 : index
    %get3A_1243 = tpu.vector_load %arg5[%get3A_1242] {strides = array<i32>} : memref<1024xi32, #tpu.memory_space<vmem>>, vector<16xi32>,
    %eq3A_1244 = arith.constant 0 : i32
    %eq3A_1245 = vector.broadcast %eq3A_1244 : i32 to vector<16xi32>
    %eq3A_1246 = arith.cmpi eq, %get3A_1243, %eq3A_1245 : vector<16xi32>
    %eq3A_1247 = arith.constant 1 : i32
    %eq3A_1248 = vector.broadcast %eq3A_1247 : i32 to vector<16xi32>
    %eq3A_1249 = arith.cmpi eq, %get3A_1243, %eq3A_1248 : vector<16xi32>
    %select_n3A_1250 = arith.select %eq3A_1249, %get3A_44, %get3A_52 : vector<16xi1>, vector<16xf32>
    %select_n3A_1251 = arith.select %eq3A_1246, %get3A_36, %select_n3A_1250 : vector<16xi1>, vector<16xf32>
    %select_n3A_1252 = arith.select %eq3A_1249, %get3A_48, %get3A_56 : vector<16xi1>, vector<16xf32>
    %select_n3A_1253 = arith.select %eq3A_1246, %get3A_40, %select_n3A_1252 : vector<16xi1>, vector<16xf32>
    %add3A_1254 = arith.constant 2016 : i32
    %add3A_1255 = vector.broadcast %add3A_1254 : i32 to vector<16xi32>
    %add3A_1256 = arith.addi %mul3A_33, %add3A_1255 : vector<16xi32>
    tpu.vector_store_idx %arg7[%add3A_1256], %select_n3A_1251 : memref<2048xf32, #tpu.memory_space<vmem>>[vector<16xi32>], vector<16xf32>,
    %add3A_1257 = arith.constant 2017 : i32
    %add3A_1258 = vector.broadcast %add3A_1257 : i32 to vector<16xi32>
    %add3A_1259 = arith.addi %mul3A_33, %add3A_1258 : vector<16xi32>
    tpu.vector_store_idx %arg7[%add3A_1259], %select_n3A_1253 : memref<2048xf32, #tpu.memory_space<vmem>>[vector<16xi32>], vector<16xf32>,
    %mul3A_1260 = arith.constant 2 : i32
    %mul3A_1261 = arith.muli %mul3A_0, %mul3A_1260 : i32
    %add3A_1262 = arith.constant 1536 : i32
    %add3A_1263 = arith.addi %mul3A_1261, %add3A_1262 : i32
    %dma_start3A_1264 = arith.constant 1536 : i32
    %dma_start3A_1265 = tpu.memref_slice %arg7[%dma_start3A_1264] : memref<2048xf32, #tpu.memory_space<vmem>> -> memref<512xf32, #tpu.memory_space<vmem>>
    %dma_start3A_1266 = tpu.memref_slice %arg4[%add3A_1263] : memref<32768xf32, #tpu.memory_space<hbm>> -> memref<512xf32, #tpu.memory_space<hbm>>
    %dma_start3A_1267 = tpu.memref_slice %arg4[%add3A_1263] : memref<32768xf32, #tpu.memory_space<hbm>> -> memref<512xf32, #tpu.memory_space<hbm>>
    %dma_start3A_1268 = arith.constant 1536 : i32
    %dma_start3A_1269 = tpu.memref_slice %arg7[%dma_start3A_1268] : memref<2048xf32, #tpu.memory_space<vmem>> -> memref<512xf32, #tpu.memory_space<vmem>>
    tpu.enqueue_dma source(%dma_start3A_1269 : memref<512xf32, #tpu.memory_space<vmem>>) target(%dma_start3A_1267 : memref<512xf32, #tpu.memory_space<hbm>>) target_semaphore(%arg16 : memref<!tpu.dma_semaphore, #tpu.memory_space<semaphore_mem>>)
    %dma_wait3A_1270 = arith.constant 0 : i32
    %dma_wait3A_1271 = tpu.memref_slice %arg7[%dma_wait3A_1270] : memref<2048xf32, #tpu.memory_space<vmem>> -> memref<512xf32, #tpu.memory_space<vmem>>
    %dma_wait3A_1272 = tpu.memref_slice %arg4[%add3A_351] : memref<32768xf32, #tpu.memory_space<hbm>> -> memref<512xf32, #tpu.memory_space<hbm>>
    %dma_wait3A_1273 = tpu.memref_slice %arg4[%add3A_351] : memref<32768xf32, #tpu.memory_space<hbm>> -> memref<512xf32, #tpu.memory_space<hbm>>
    %dma_wait3A_1274 = arith.constant 0 : i32
    %dma_wait3A_1275 = tpu.memref_slice %arg7[%dma_wait3A_1274] : memref<2048xf32, #tpu.memory_space<vmem>> -> memref<512xf32, #tpu.memory_space<vmem>>
    tpu.wait_dma2 semaphore(%arg13 : memref<!tpu.dma_semaphore, #tpu.memory_space<semaphore_mem>>) src(%dma_wait3A_1275 : memref<512xf32, #tpu.memory_space<vmem>>) dst(%dma_wait3A_1273 : memref<512xf32, #tpu.memory_space<hbm>>)
    %dma_wait3A_1276 = arith.constant 512 : i32
    %dma_wait3A_1277 = tpu.memref_slice %arg7[%dma_wait3A_1276] : memref<2048xf32, #tpu.memory_space<vmem>> -> memref<512xf32, #tpu.memory_space<vmem>>
    %dma_wait3A_1278 = tpu.memref_slice %arg4[%add3A_655] : memref<32768xf32, #tpu.memory_space<hbm>> -> memref<512xf32, #tpu.memory_space<hbm>>
    %dma_wait3A_1279 = tpu.memref_slice %arg4[%add3A_655] : memref<32768xf32, #tpu.memory_space<hbm>> -> memref<512xf32, #tpu.memory_space<hbm>>
    %dma_wait3A_1280 = arith.constant 512 : i32
    %dma_wait3A_1281 = tpu.memref_slice %arg7[%dma_wait3A_1280] : memref<2048xf32, #tpu.memory_space<vmem>> -> memref<512xf32, #tpu.memory_space<vmem>>
    tpu.wait_dma2 semaphore(%arg14 : memref<!tpu.dma_semaphore, #tpu.memory_space<semaphore_mem>>) src(%dma_wait3A_1281 : memref<512xf32, #tpu.memory_space<vmem>>) dst(%dma_wait3A_1279 : memref<512xf32, #tpu.memory_space<hbm>>)
    %dma_wait3A_1282 = arith.constant 1024 : i32
    %dma_wait3A_1283 = tpu.memref_slice %arg7[%dma_wait3A_1282] : memref<2048xf32, #tpu.memory_space<vmem>> -> memref<512xf32, #tpu.memory_space<vmem>>
    %dma_wait3A_1284 = tpu.memref_slice %arg4[%add3A_959] : memref<32768xf32, #tpu.memory_space<hbm>> -> memref<512xf32, #tpu.memory_space<hbm>>
    %dma_wait3A_1285 = tpu.memref_slice %arg4[%add3A_959] : memref<32768xf32, #tpu.memory_space<hbm>> -> memref<512xf32, #tpu.memory_space<hbm>>
    %dma_wait3A_1286 = arith.constant 1024 : i32
    %dma_wait3A_1287 = tpu.memref_slice %arg7[%dma_wait3A_1286] : memref<2048xf32, #tpu.memory_space<vmem>> -> memref<512xf32, #tpu.memory_space<vmem>>
    tpu.wait_dma2 semaphore(%arg15 : memref<!tpu.dma_semaphore, #tpu.memory_space<semaphore_mem>>) src(%dma_wait3A_1287 : memref<512xf32, #tpu.memory_space<vmem>>) dst(%dma_wait3A_1285 : memref<512xf32, #tpu.memory_space<hbm>>)
    %dma_wait3A_1288 = arith.constant 1536 : i32
    %dma_wait3A_1289 = tpu.memref_slice %arg7[%dma_wait3A_1288] : memref<2048xf32, #tpu.memory_space<vmem>> -> memref<512xf32, #tpu.memory_space<vmem>>
    %dma_wait3A_1290 = tpu.memref_slice %arg4[%add3A_1263] : memref<32768xf32, #tpu.memory_space<hbm>> -> memref<512xf32, #tpu.memory_space<hbm>>
    %dma_wait3A_1291 = tpu.memref_slice %arg4[%add3A_1263] : memref<32768xf32, #tpu.memory_space<hbm>> -> memref<512xf32, #tpu.memory_space<hbm>>
    %dma_wait3A_1292 = arith.constant 1536 : i32
    %dma_wait3A_1293 = tpu.memref_slice %arg7[%dma_wait3A_1292] : memref<2048xf32, #tpu.memory_space<vmem>> -> memref<512xf32, #tpu.memory_space<vmem>>
    tpu.wait_dma2 semaphore(%arg16 : memref<!tpu.dma_semaphore, #tpu.memory_space<semaphore_mem>>) src(%dma_wait3A_1293 : memref<512xf32, #tpu.memory_space<vmem>>) dst(%dma_wait3A_1291 : memref<512xf32, #tpu.memory_space<hbm>>)
    return
  }
}

</mosaic_0001>

<sc_bundles>
// kernel: kernel.3.cloned.1.call-start
scs
__scs_entry_jumppad:
0x0: {  	(pc) =	sbr.rel $0x88, $3  }
0x1: {  	(tag) =	ssettag $0x0;
	lr =	simm.s32 $0x1  }
0x2: {  	[smem:$0x3F9F] =	sst lr;
	_ =	strace $0xD0000000  }
0x3: {  	_ = 	snop  }
0x4: {  	_ = 	snop  }
0x5: {  	_ = 	snop  }
0x6: {  	_ = 	snop  }
0x7: {  	_ = 	snop  }
__scs_overlays_trampoline_lowered:
0x8: {  	[smem:$0x3FAE] =	sst s0  }
0x9: {  	[smem:$0x3FAF] =	sst s1  }
0xa: {  	[smem:$0x3FB0] =	sst s2  }
0xb: {  	[smem:$0x3FB1] =	sst s3  }
0xc: {  	[smem:$0x3FB2] =	sst s4  }
0xd: {  	[smem:$0x3FB3] =	sst s5  }
0xe: {  	[smem:$0x3FB4] =	sst s6  }
0xf: {  	[smem:$0x3FB5] =	sst s7  }
0x10: {  	[smem:$0x3FB6] =	sst s8  }
0x11: {  	[smem:$0x3FB7] =	sst s9;
	s0 =	simm.s32 @!p0 $0x0  }
0x12: {  	s1 =	sld [smem:$0x3F9D];
	s0 =	simm.s32 @p0 $0x1  }
0x13: {  	[smem:$0x3FB8] =	sst s0;
	s0 =	simm.s32 @!p1 $0x0  }
0x14: {  	s2 =	sld [smem:$0x3F9C];
	s0 =	simm.s32 @p1 $0x1  }
0x15: {  	[smem:$0x3FB9] =	sst s0;
	s0 =	simm.s32 @!p2 $0x0  }
0x16: {  	s3 =	sld [smem:$0x3FDB];
	s0 =	simm.s32 @p2 $0x1  }
0x17: {  	s4 =	simm.s32 $0x1BF5;
	[smem:$0x3FBB] =	sst s0  }
0x18: {  	s0 =	sld [smem:$0x3F9E];
	_ =	swait.ge [sflag:s4], $0x0  }
0x19: {  	s7 =	sld [smem:$0x3F9F]  }
0x1a: {  	s8 =	sadd.s32 $0xFFFFE003, lr  }
0x1b: {  	s9 =	sadd.s32 $0xFFFFFEF7, lr;
	s5 =	simm.s32 $0xFFFFFFFF;
	p2 =	slt.u32 s8, $0xFFFFF086  }
0x1c: {  	p1 =	slt.u32 s9, $0xF7A;
	s5 =	simm.s32 @!p2 $0x0  }
0x1d: {  	s5 =	simm.s32 @p1 $0x1;
	p0 =	seq.s32 s7, s2  }
0x1e: {  	s7 =	smul.u32 @!p0 $0xF7A, s2;
	p2 =	seq.s32 @!p0 s5, $0x0  }
0x1f: {  	s9 =	smul.u32 $0xF7A, s1;
	s8 =	simm.s32 @!p0 $0x1BF5;
	p2 =	por !p2, p0  }
0x20: {  	[sflag:s8] =	ssyncset.s32 @!p0 $0xFFFFF086;
	s6 =	sadd.s32 @!p0 s3, s7;
	s7 =	simm.s32 @!p0 $0x108  }
0x21: {  	s3 =	sadd.s32 s3, s9;
	s6 =	sadd.s32 @!p0 $0x88, s6;
	s7 =	simm.s32 @p2 $0x1082  }
0x22: {  	[simem:s7], [sflag:s8] =	dma.local @!p0 [hbm:s6], $0xF7A  }
0x23: {  	s9 =	sor.u32 $0xD0000000, s2;
	s6 =	simm.s32 $0x108;
	_ =	swait.ge @!p0 [sflag:s8], $0x0  }
0x24: {  	s3 =	sadd.s32 $0x88, s3;
	s6 =	simm.s32 @!p1 $0x1082;
	[sflag:s4] =	ssyncset.s32 $0xFFFFF086  }
0x25: {  	[simem:s6], [sflag:s4] =	dma.local [hbm:s3], $0xF7A  }
0x26: {  	[smem:$0x3F9F] =	sst s1;
	(tag) =	ssettag s2;
	_ =	strace s9  }
0x27: {  	s1 =	sld [smem:$0x3FAF]  }
0x28: {  	s2 =	sld [smem:$0x3FB0]  }
0x29: {  	s4 =	sld [smem:$0x3FB2]  }
0x2a: {  	p0 =	seq.s32 s5, $0x0;
	s5 =	sld [smem:$0x3FB3]  }
0x2b: {  	s6 =	sld [smem:$0x3FB4]  }
0x2c: {  	s7 =	sld [smem:$0x3FB5]  }
0x2d: {  	s3 =	simm.s32 $0x108;
	s8 =	sld [smem:$0x3FB6]  }
0x2e: {  	s3 =	simm.s32 @!p0 $0x1082;
	s9 =	sld [smem:$0x3FB7]  }
0x2f: {  	lr =	sadd.s32 s0, s3;
	s0 =	sld [smem:$0x3FAE]  }
0x30: {  	s3 =	sld [smem:$0x3FB1]  }
0x31: {  	[smem:$0x3FBA] =	sst s10  }
0x32: {  	s10 =	sld [smem:$0x3FB8];
	_ =	sdelay $0x3  }
0x33: {  	p0 =	seq.s32 s10, $0x1;
	s10 =	sld [smem:$0x3FBA];
	_ =	sdelay $0x3  }
0x34: {  	[smem:$0x3FBA] =	sst s10  }
0x35: {  	s10 =	sld [smem:$0x3FB9];
	_ =	sdelay $0x3  }
0x36: {  	p1 =	seq.s32 s10, $0x1;
	s10 =	sld [smem:$0x3FBA];
	_ =	sdelay $0x3  }
0x37: {  	[smem:$0x3FBA] =	sst s10  }
0x38: {  	s10 =	sld [smem:$0x3FBB]  }
0x39: {  	_ = 	snop;
	(pc) =	sbr.ind lr, $3  }
0x3a: {  	_ = 	snop  }
0x3b: {  	_ = 	snop  }
0x3c: {  	p2 =	seq.s32 s10, $0x1;
	s10 =	sld [smem:$0x3FBA]  }
0x3d: {  	_ =	shalt  }
0x3e: {  	_ =	shalt  }
0x3f: {  	_ =	shalt  }
0x40: {  	_ =	shalt  }
0x41: {  	_ =	shalt  }
0x42: {  	_ =	shalt  }
0x43: {  	_ =	shalt  }
0x44: {  	_ =	shalt  }
0x45: {  	_ =	shalt  }
0x46: {  	_ =	shalt  }
0x47: {  	_ =	shalt  }
0x48: {  	_ =	shalt  }
0x49: {  	_ =	shalt  }
0x4a: {  	_ =	shalt  }
0x4b: {  	_ =	shalt  }
0x4c: {  	_ =	shalt  }
0x4d: {  	_ =	shalt  }
0x4e: {  	_ =	shalt  }
0x4f: {  	_ =	shalt  }
0x50: {  	_ =	shalt  }
0x51: {  	_ =	shalt  }
0x52: {  	_ =	shalt  }
0x53: {  	_ =	shalt  }
0x54: {  	_ =	shalt  }
0x55: {  	_ =	shalt  }
0x56: {  	_ =	shalt  }
0x57: {  	_ =	shalt  }
0x58: {  	_ =	shalt  }
0x59: {  	_ =	shalt  }
0x5a: {  	_ =	shalt  }
0x5b: {  	_ =	shalt  }
0x5c: {  	_ =	shalt  }
0x5d: {  	_ =	shalt  }
0x5e: {  	_ =	shalt  }
0x5f: {  	_ =	shalt  }
0x60: {  	_ =	shalt  }
0x61: {  	_ =	shalt  }
0x62: {  	_ =	shalt  }
0x63: {  	_ =	shalt  }
0x64: {  	_ =	shalt  }
0x65: {  	_ =	shalt  }
0x66: {  	_ =	shalt  }
0x67: {  	_ =	shalt  }
0x68: {  	_ =	shalt  }
0x69: {  	_ =	shalt  }
0x6a: {  	_ =	shalt  }
0x6b: {  	_ =	shalt  }
0x6c: {  	_ =	shalt  }
0x6d: {  	_ =	shalt  }
0x6e: {  	_ =	shalt  }
0x6f: {  	_ =	shalt  }
0x70: {  	_ =	shalt  }
0x71: {  	_ =	shalt  }
0x72: {  	_ =	shalt  }
0x73: {  	_ =	shalt  }
0x74: {  	_ =	shalt  }
0x75: {  	_ =	shalt  }
0x76: {  	_ =	shalt  }
0x77: {  	_ =	shalt  }
0x78: {  	_ =	shalt  }
0x79: {  	_ =	shalt  }
0x7a: {  	_ =	shalt  }
0x7b: {  	_ =	shalt  }
0x7c: {  	_ =	shalt  }
0x7d: {  	_ =	shalt  }
0x7e: {  	_ =	shalt  }
0x7f: {  	_ =	shalt  }
0x80: {  	_ =	shalt  }
0x81: {  	_ =	shalt  }
0x82: {  	_ =	shalt  }
0x83: {  	_ =	shalt  }
0x84: {  	_ =	shalt  }
0x85: {  	_ =	shalt  }
0x86: {  	_ =	shalt  }
0x87: {  	_ =	shalt  }
.Lfunc_end0:
.L_simem_size_0:
called_computation_lowered:
.L_overlay_start_0:
0x88: {  	s0 =	sld [smem:$0x3FD9]  }
0x89: {  	s1 =	sld [smem:$0x3FFE];
	_ =	sdelay $0x3  }
0x8a: {  	s0 =	sadd.s32 s1, s0  }
0x8b: {  	[smem:$0x3FC6] =	sst s0  }
0x8c: {  	_ = 	snop  }
0x8d: {  	s0 =	sld [smem:$0x3FC9]  }
0x8e: {  	s16 =	sld [smem:$0x3FD0];
	(tm) =	ssettm $0x1  }
0x8f: {  	s2 =	sld [smem:$0x3FFB];
	_ =	sdelay $0x3  }
0x90: {  	_ =	strace s2  }
0x91: {  	s2 =	sld [smem:$0x3FFC];
	_ =	sdelay $0x3  }
0x92: {  	_ =	strace s2  }
0x93: {  	s2 =	sld [smem:$0x3FFD];
	_ =	sdelay $0x3  }
0x94: {  	_ =	strace s2  }
0x95: {  	_ =	strace $0x8FFFFFFF  }
0x96: {  	s17 =	sld [smem:$0x3FDB];
	_ =	sdelay $0x1  }
0x97: {  	s3 =	simm.s32 $_scs_section_size  }
0x98: {  	s4 =	simm.s32 $_size__tile_overlayer_lowered;
	s5 =	simm.s32 $_tile_overlayer_lowered  }
0x99: {  	s20 =	simm.s32 $0x1BFF;
	s19 =	sshll.u32 s5, $0x1;
	s2 =	sadd.s32 s3, s17  }
0x9a: {  	s6 =	simm.s32 $0x0;
	s18 =	sshll.u32 s4, $0x1;
	s4 =	sadd.s32 s19, s2  }
0x9b: {  	[timem:s6], [sflag:s20] =	dma.local [hbm:s4], s18  }
0x9c: {  	_ =	swait.ge [sflag:s20], s18  }
0x9d: {  	s3 =	ssub.s32 $0x0, s18;
	[sflag:s20] =	ssyncset.done $0x0  }
0x9e: {  	[sflag:s20] =	ssyncadd.s32 s3;
	_ =	sdelay $0x1  }
0x9f: {  	s21 =	simm.s32 $0x1B8B  }
0xa0: {  	_ =	swait.ge [sflag:s21], $0x1  }
0xa1: {  	[sflag:s21] =	ssyncset.done $0x0  }
0xa2: {  	s23 =	simm.s32 $0x1B8E;
	s22 =	sld [smem:$0x3FFE];
	[sflag:s21] =	ssyncadd.s32 $0xFFFFFFFF  }
0xa3: {  	s24 =	simm.s32 $execute0_lowered;
	[smem:$0x3FD2] =	sst s23  }
0xa4: {  	s4 =	sshll.u32 s24, $0x1;
	_ =	strace $0x80000046;
	[dreg:$0x1] =	wrdreg $0xFFFFFFFF  }
0xa5: {  	s25 =	simm.s32 $_size_execute0_lowered;
	s2 =	sadd.s32 s2, s4;
	[dreg:$0x0] =	wrdreg $0x0  }
0xa6: {  	s4 =	sshll.u32 s25, $0x1;
	[dreg:$0x2] =	wrdreg s2  }
0xa7: {  	[dreg:$0x3] =	wrdreg s4  }
0xa8: {  	[dreg:$0x4] =	wrdreg $0xC0  }
0xa9: {  	_ =	task [dreg:s6], $0x5FFFF  }
0xaa: {  	[dreg:$0x1] =	wrdreg $0xFFFFFFFF  }
0xab: {  	[dreg:$0x0] =	wrdreg $0x60  }
0xac: {  	[dreg:$0x2] =	wrdreg s0  }
0xad: {  	[dreg:$0x3] =	wrdreg s22  }
0xae: {  	[dreg:$0x4] =	wrdreg s16  }
0xaf: {  	[dreg:$0x5] =	wrdreg $0x9  }
0xb0: {  	_ =	task.clear_ibuf [dreg:s6], $0x6FFFF;
	_ =	strace $0x90000046  }
0xb1: {  	s26 =	simm.s32 $0x9;
	_ =	strace $0x80000048  }
0xb2: {  	_ =	swait.ge [sflag:s26], $0x1  }
0xb3: {  	[sflag:s26] =	ssyncadd.s32 $0xFFFFFFFF  }
0xb4: {  	_ =	strace $0x90000048  }
0xb5: {  	_ =	sfence  }
0xb6: {  	s28 =	sld [smem:$0x0];
	_ =	sdelay $0x1  }
0xb7: {  	s29 =	srdreg.scid  }
0xb8: {  	s30 =	sshll.u32 s29, $0xD;
	s31 =	sshrl.u32 s29, $0x2  }
0xb9: {  	s1 =	sand.u32 $0x1, s29;
	s2 =	sand.u32 $0x4000, s30;
	s0 =	sadd.s32 s31, s28  }
0xba: {  	s1 =	sor.u32 s2, s1;
	s0 =	sshll.u32 s0, $0x11  }
0xbb: {  	s0 =	sor.u32 s0, s1  }
0xbc: {  	s0 =	sadd.s32 $0x8F2B, s0  }
0xbd: {  	[sflag:s0] =	ssyncadd.remote.s32 $0x1  }
0xbe: {  	_ =	sfence.sel $0xFFFF  }
0xbf: {  	[dreg:$0x0] =	wrdreg $0xFFFFFFFF;
	(pc) =	sbr.abs _section_cstart, $3  }
0xc0: {  	[dreg:$0x1] =	wrdreg $0xFFFFFFFF  }
0xc1: {  	_ =	task.clear_ibuf [dreg:s6], $0x2FFFF;
	_ =	strace $0x9FFFFFFF  }
0xc2: {  	(tm) =	ssettm $0x7FFFFFFF  }
0xc3: {  	_ =	shalt  }
tec
execute0_lowered:
.L_overlay_start_1:
0x0: {  	(tag) =	ssettag $0x1  }
0x1: {  	s3 =	rddreg [dreg:$0x0]  }
0x2: {  	s5 =	rddreg [dreg:$0x1]  }
0x3: {  	s4 =	rddreg [dreg:$0x2]  }
0x4: {  	s0 =	rddreg [dreg:$0x3];
	s2 =	simm.s32 $0x0  }
0x5: {  	s1 =	stileid.u32;
	s7 =	simm.s32 $0x400;
	[smem:$0x7FF] =	sst s2  }
0x6: {  	s5 =	sadd.s32 $0x400, s5;
	s6 =	sshll.u32 s1, $0x7;
	_ =	strace $0x80000047  }
0x7: {  	[tilespmem:s7], [sflag:$0x1] =	stream.linear.gather [hbm4b:s5+s2], $0x300, $0x38;
	[tilespmem:$0x1000] =	vst v63  }
0x8: {  	s3 =	sadd.s32 s3, s6  }
0x9: {  	[tilespmem:s2], [sflag:$0x2] =	stream.linear.gather [hbm4b:s3+s2], $0x100, $0x38;
	[tilespmem:$0x1000] =	vst v63  }
0xa: {  	s11 =	simm.s32 $0x100;
	s10 =	sadd.s32 $0x20, s3  }
0xb: {  	[tilespmem:s11], [sflag:$0x3] =	stream.linear.gather [hbm4b:s10+s2], $0x100, $0x38;
	[tilespmem:$0x1000] =	vst v63  }
0xc: {  	s13 =	simm.s32 $0x200;
	s12 =	sadd.s32 $0x40, s3  }
0xd: {  	[tilespmem:s13], [sflag:$0x4] =	stream.linear.gather [hbm4b:s12+s2], $0x100, $0x38;
	[tilespmem:$0x1000] =	vst v63  }
0xe: {  	s14 =	simm.s32 $0x300;
	s15 =	simm.s32 $0x1;
	s3 =	sadd.s32 $0x60, s3  }
0xf: {  	[tilespmem:s14], [sflag:$0x5] =	stream.linear.gather [hbm4b:s3+s2], $0x100, $0x38;
	[tilespmem:$0x1000] =	vst v63  }
0x10: {  	_ =	swait.ge [sflag:s15], $0x300  }
0x11: {  	[sflag:s15] =	ssyncset.done $0x0  }
0x12: {  	[sflag:s15] =	ssyncadd.s32 $0xFFFFFD00  }
0x13: {  	v1 =	vld [tilespmem:$0x400]  }
0x14: {  	v0 =	vld [tilespmem:$0x480]  }
0x15: {  	v3 =	vld [tilespmem:$0x500]  }
0x16: {  	v2 =	vld [tilespmem:$0x580]  }
0x17: {  	s16 =	simm.s32 $0x2;
	v5 =	vld [tilespmem:$0x600]  }
0x18: {  	v4 =	vld [tilespmem:$0x680];
	_ =	swait.ge [sflag:s16], $0x100  }
0x19: {  	[sflag:s16] =	ssyncset.done $0x0  }
0x1a: {  	[sflag:s16] =	ssyncadd.s32 $0xFFFFFF00  }
0x1b: {  	v7 =	vld [tilespmem:$0x0]  }
0x1c: {  	v6 =	vlaneseq.u32  }
0x1d: {  	v6 =	vmul.u32 $0x2, v6;
	_ =	sdelay $0x1  }
0x1e: {  	v8 =	vor.u32 $0x1, v6  }
0x1f: {  	vm0 =	veq.s32 v7, $0x1  }
0x20: {  	vm1 =	veq.s32 v7, $0x0;
	v22 =	vsel vm0, v3, v5  }
0x21: {  	s17 =	simm.s32 $0x800;
	v9 =	vsel vm0, v2, v4;
	v7 =	vsel vm1, v1, v22  }
0x22: {  	v9 =	vsel vm1, v0, v9;
	[tilespmem:v6+s17+$0x0] =	vst.idx.msk $0xffff, v7  }
0x23: {  	[tilespmem:v8+s17+$0x0] =	vst.idx.msk $0xffff, v9  }
0x24: {  	v7 =	vld [tilespmem:$0x10];
	_ =	sdelay $0x2  }
0x25: {  	v23 =	vor.u32 $0x20, v6  }
0x26: {  	v24 =	vor.u32 $0x21, v6  }
0x27: {  	vm10 =	veq.s32 v7, $0x1  }
0x28: {  	vm11 =	veq.s32 v7, $0x0;
	v25 =	vsel vm10, v3, v5  }
0x29: {  	v10 =	vsel vm10, v2, v4;
	v7 =	vsel vm11, v1, v25  }
0x2a: {  	v10 =	vsel vm11, v0, v10;
	[tilespmem:v23+s17+$0x0] =	vst.idx.msk $0xffff, v7  }
0x2b: {  	[tilespmem:v24+s17+$0x0] =	vst.idx.msk $0xffff, v10  }
0x2c: {  	v7 =	vld [tilespmem:$0x20];
	_ =	sdelay $0x2  }
0x2d: {  	v26 =	vor.u32 $0x40, v6  }
0x2e: {  	v27 =	vor.u32 $0x41, v6  }
0x2f: {  	vm12 =	veq.s32 v7, $0x1  }
0x30: {  	vm13 =	veq.s32 v7, $0x0;
	v28 =	vsel vm12, v3, v5  }
0x31: {  	v29 =	vsel vm12, v2, v4;
	v7 =	vsel vm13, v1, v28  }
0x32: {  	v10 =	vsel vm13, v0, v29;
	[tilespmem:v26+s17+$0x0] =	vst.idx.msk $0xffff, v7  }
0x33: {  	[tilespmem:v27+s17+$0x0] =	vst.idx.msk $0xffff, v10  }
0x34: {  	v7 =	vld [tilespmem:$0x30];
	_ =	sdelay $0x2  }
0x35: {  	v30 =	vor.u32 $0x60, v6  }
0x36: {  	v31 =	vor.u32 $0x61, v6  }
0x37: {  	vm14 =	veq.s32 v7, $0x1  }
0x38: {  	vm15 =	veq.s32 v7, $0x0;
	v32 =	vsel vm14, v3, v5  }
0x39: {  	v33 =	vsel vm14, v2, v4;
	v7 =	vsel vm15, v1, v32  }
0x3a: {  	v10 =	vsel vm15, v0, v33;
	[tilespmem:v30+s17+$0x0] =	vst.idx.msk $0xffff, v7  }
0x3b: {  	[tilespmem:v31+s17+$0x0] =	vst.idx.msk $0xffff, v10  }
0x3c: {  	v7 =	vld [tilespmem:$0x40];
	_ =	sdelay $0x2  }
0x3d: {  	v34 =	vor.u32 $0x80, v6  }
0x3e: {  	v35 =	vor.u32 $0x81, v6  }
0x3f: {  	vm4 =	veq.s32 v7, $0x1  }
0x40: {  	vm5 =	veq.s32 v7, $0x0;
	v36 =	vsel vm4, v3, v5  }
0x41: {  	v37 =	vsel vm4, v2, v4;
	v7 =	vsel vm5, v1, v36  }
0x42: {  	v10 =	vsel vm5, v0, v37;
	[tilespmem:v34+s17+$0x0] =	vst.idx.msk $0xffff, v7  }
0x43: {  	[tilespmem:v35+s17+$0x0] =	vst.idx.msk $0xffff, v10  }
0x44: {  	v7 =	vld [tilespmem:$0x50];
	_ =	sdelay $0x2  }
0x45: {  	v38 =	vor.u32 $0xA0, v6  }
0x46: {  	v39 =	vor.u32 $0xA1, v6  }
0x47: {  	vm6 =	veq.s32 v7, $0x1  }
0x48: {  	vm7 =	veq.s32 v7, $0x0;
	v40 =	vsel vm6, v3, v5  }
0x49: {  	v41 =	vsel vm6, v2, v4;
	v7 =	vsel vm7, v1, v40  }
0x4a: {  	v10 =	vsel vm7, v0, v41;
	[tilespmem:v38+s17+$0x0] =	vst.idx.msk $0xffff, v7  }
0x4b: {  	[tilespmem:v39+s17+$0x0] =	vst.idx.msk $0xffff, v10  }
0x4c: {  	v7 =	vld [tilespmem:$0x60];
	_ =	sdelay $0x2  }
0x4d: {  	v42 =	vor.u32 $0xC0, v6  }
0x4e: {  	v43 =	vor.u32 $0xC1, v6  }
0x4f: {  	vm8 =	veq.s32 v7, $0x1  }
0x50: {  	vm9 =	veq.s32 v7, $0x0;
	v44 =	vsel vm8, v3, v5  }
0x51: {  	v45 =	vsel vm8, v2, v4;
	v7 =	vsel vm9, v1, v44  }
0x52: {  	v10 =	vsel vm9, v0, v45;
	[tilespmem:v42+s17+$0x0] =	vst.idx.msk $0xffff, v7  }
0x53: {  	[tilespmem:v43+s17+$0x0] =	vst.idx.msk $0xffff, v10  }
0x54: {  	v7 =	vld [tilespmem:$0x70];
	_ =	sdelay $0x2  }
0x55: {  	v46 =	vor.u32 $0xE0, v6  }
0x56: {  	v47 =	vor.u32 $0xE1, v6  }
0x57: {  	vm10 =	veq.s32 v7, $0x1  }
0x58: {  	vm11 =	veq.s32 v7, $0x0;
	v48 =	vsel vm10, v3, v5  }
0x59: {  	v49 =	vsel vm10, v2, v4;
	v7 =	vsel vm11, v1, v48  }
0x5a: {  	v10 =	vsel vm11, v0, v49;
	[tilespmem:v46+s17+$0x0] =	vst.idx.msk $0xffff, v7  }
0x5b: {  	[tilespmem:v47+s17+$0x0] =	vst.idx.msk $0xffff, v10  }
0x5c: {  	v7 =	vld [tilespmem:$0x80];
	_ =	sdelay $0x2  }
0x5d: {  	v50 =	vor.u32 $0x100, v6  }
0x5e: {  	v51 =	vor.u32 $0x101, v6  }
0x5f: {  	vm12 =	veq.s32 v7, $0x1  }
0x60: {  	vm13 =	veq.s32 v7, $0x0;
	v52 =	vsel vm12, v3, v5  }
0x61: {  	v53 =	vsel vm12, v2, v4;
	v7 =	vsel vm13, v1, v52  }
0x62: {  	v10 =	vsel vm13, v0, v53;
	[tilespmem:v50+s17+$0x0] =	vst.idx.msk $0xffff, v7  }
0x63: {  	[tilespmem:v51+s17+$0x0] =	vst.idx.msk $0xffff, v10  }
0x64: {  	v7 =	vld [tilespmem:$0x90];
	_ =	sdelay $0x2  }
0x65: {  	v54 =	vor.u32 $0x120, v6  }
0x66: {  	v55 =	vor.u32 $0x121, v6  }
0x67: {  	vm14 =	veq.s32 v7, $0x1  }
0x68: {  	vm15 =	veq.s32 v7, $0x0;
	v56 =	vsel vm14, v3, v5  }
0x69: {  	v57 =	vsel vm14, v2, v4;
	v7 =	vsel vm15, v1, v56  }
0x6a: {  	v10 =	vsel vm15, v0, v57;
	[tilespmem:v54+s17+$0x0] =	vst.idx.msk $0xffff, v7  }
0x6b: {  	[tilespmem:v55+s17+$0x0] =	vst.idx.msk $0xffff, v10  }
0x6c: {  	v7 =	vld [tilespmem:$0xA0];
	_ =	sdelay $0x2  }
0x6d: {  	v58 =	vor.u32 $0x140, v6  }
0x6e: {  	v59 =	vor.u32 $0x141, v6  }
0x6f: {  	vm4 =	veq.s32 v7, $0x1  }
0x70: {  	vm5 =	veq.s32 v7, $0x0;
	v60 =	vsel vm4, v3, v5  }
0x71: {  	v61 =	vsel vm4, v2, v4;
	v7 =	vsel vm5, v1, v60  }
0x72: {  	v10 =	vsel vm5, v0, v61;
	[tilespmem:v58+s17+$0x0] =	vst.idx.msk $0xffff, v7  }
0x73: {  	[tilespmem:v59+s17+$0x0] =	vst.idx.msk $0xffff, v10  }
0x74: {  	v7 =	vld [tilespmem:$0xB0];
	_ =	sdelay $0x2  }
0x75: {  	v62 =	vor.u32 $0x160, v6  }
0x76: {  	v63 =	vor.u32 $0x161, v6  }
0x77: {  	vm6 =	veq.s32 v7, $0x1  }
0x78: {  	vm7 =	veq.s32 v7, $0x0;
	v11 =	vsel vm6, v3, v5  }
0x79: {  	v12 =	vsel vm6, v2, v4;
	v7 =	vsel vm7, v1, v11  }
0x7a: {  	v10 =	vsel vm7, v0, v12;
	[tilespmem:v62+s17+$0x0] =	vst.idx.msk $0xffff, v7  }
0x7b: {  	[tilespmem:v63+s17+$0x0] =	vst.idx.msk $0xffff, v10  }
0x7c: {  	v7 =	vld [tilespmem:$0xC0];
	_ =	sdelay $0x2  }
0x7d: {  	v13 =	vor.u32 $0x180, v6  }
0x7e: {  	v14 =	vor.u32 $0x181, v6  }
0x7f: {  	vm8 =	veq.s32 v7, $0x1  }
0x80: {  	vm9 =	veq.s32 v7, $0x0;
	v15 =	vsel vm8, v3, v5  }
0x81: {  	v16 =	vsel vm8, v2, v4;
	v7 =	vsel vm9, v1, v15  }
0x82: {  	v10 =	vsel vm9, v0, v16;
	[tilespmem:v13+s17+$0x0] =	vst.idx.msk $0xffff, v7  }
0x83: {  	[tilespmem:v14+s17+$0x0] =	vst.idx.msk $0xffff, v10  }
0x84: {  	v7 =	vld [tilespmem:$0xD0];
	_ =	sdelay $0x2  }
0x85: {  	v17 =	vor.u32 $0x1A0, v6  }
0x86: {  	v18 =	vor.u32 $0x1A1, v6  }
0x87: {  	vm10 =	veq.s32 v7, $0x1  }
0x88: {  	vm11 =	veq.s32 v7, $0x0;
	v19 =	vsel vm10, v3, v5  }
0x89: {  	v20 =	vsel vm10, v2, v4;
	v7 =	vsel vm11, v1, v19  }
0x8a: {  	v10 =	vsel vm11, v0, v20;
	[tilespmem:v17+s17+$0x0] =	vst.idx.msk $0xffff, v7  }
0x8b: {  	[tilespmem:v18+s17+$0x0] =	vst.idx.msk $0xffff, v10  }
0x8c: {  	v7 =	vld [tilespmem:$0xE0];
	_ =	sdelay $0x2  }
0x8d: {  	v21 =	vor.u32 $0x1C0, v6  }
0x8e: {  	v22 =	vor.u32 $0x1C1, v6  }
0x8f: {  	vm12 =	veq.s32 v7, $0x1  }
0x90: {  	vm13 =	veq.s32 v7, $0x0;
	v23 =	vsel vm12, v3, v5  }
0x91: {  	v24 =	vsel vm12, v2, v4;
	v7 =	vsel vm13, v1, v23  }
0x92: {  	v10 =	vsel vm13, v0, v24;
	[tilespmem:v21+s17+$0x0] =	vst.idx.msk $0xffff, v7  }
0x93: {  	[tilespmem:v22+s17+$0x0] =	vst.idx.msk $0xffff, v10  }
0x94: {  	v7 =	vld [tilespmem:$0xF0];
	_ =	sdelay $0x2  }
0x95: {  	v25 =	vor.u32 $0x1E0, v6  }
0x96: {  	v26 =	vor.u32 $0x1E1, v6  }
0x97: {  	vm14 =	veq.s32 v7, $0x1  }
0x98: {  	vm15 =	veq.s32 v7, $0x0;
	v27 =	vsel vm14, v3, v5  }
0x99: {  	v28 =	vsel vm14, v2, v4;
	v7 =	vsel vm15, v1, v27  }
0x9a: {  	s18 =	sshll.u32 s1, $0x8;
	v10 =	vsel vm15, v0, v28;
	[tilespmem:v25+s17+$0x0] =	vst.idx.msk $0xffff, v7  }
0x9b: {  	s19 =	simm.s32 $0x3;
	s4 =	sadd.s32 s4, s18;
	[tilespmem:v26+s17+$0x0] =	vst.idx.msk $0xffff, v10  }
0x9c: {  	[hbm4b:s4+s2] =	stream.linear.scatter [tilespmem:s17], [sflag:$0x6], $0x200, $0x38;
	[tilespmem:$0x1000] =	vst v63  }
0x9d: {  	_ =	swait.ge [sflag:s19], $0x100  }
0x9e: {  	[sflag:s19] =	ssyncset.done $0x0  }
0x9f: {  	[sflag:s19] =	ssyncadd.s32 $0xFFFFFF00  }
0xa0: {  	v29 =	vld [tilespmem:$0x100];
	_ =	sdelay $0x2  }
0xa1: {  	v30 =	vor.u32 $0x200, v6  }
0xa2: {  	v31 =	vor.u32 $0x201, v6  }
0xa3: {  	vm4 =	veq.s32 v29, $0x1  }
0xa4: {  	vm5 =	veq.s32 v29, $0x0;
	v32 =	vsel vm4, v3, v5  }
0xa5: {  	v33 =	vsel vm4, v2, v4;
	v7 =	vsel vm5, v1, v32  }
0xa6: {  	v10 =	vsel vm5, v0, v33;
	[tilespmem:v30+s17+$0x0] =	vst.idx.msk $0xffff, v7  }
0xa7: {  	[tilespmem:v31+s17+$0x0] =	vst.idx.msk $0xffff, v10  }
0xa8: {  	v7 =	vld [tilespmem:$0x110];
	_ =	sdelay $0x2  }
0xa9: {  	v34 =	vor.u32 $0x220, v6  }
0xaa: {  	v35 =	vor.u32 $0x221, v6  }
0xab: {  	vm6 =	veq.s32 v7, $0x1  }
0xac: {  	vm7 =	veq.s32 v7, $0x0;
	v36 =	vsel vm6, v3, v5  }
0xad: {  	v37 =	vsel vm6, v2, v4;
	v7 =	vsel vm7, v1, v36  }
0xae: {  	v10 =	vsel vm7, v0, v37;
	[tilespmem:v34+s17+$0x0] =	vst.idx.msk $0xffff, v7  }
0xaf: {  	[tilespmem:v35+s17+$0x0] =	vst.idx.msk $0xffff, v10  }
0xb0: {  	v7 =	vld [tilespmem:$0x120];
	_ =	sdelay $0x2  }
0xb1: {  	v38 =	vor.u32 $0x240, v6  }
0xb2: {  	v39 =	vor.u32 $0x241, v6  }
0xb3: {  	vm8 =	veq.s32 v7, $0x1  }
0xb4: {  	vm9 =	veq.s32 v7, $0x0;
	v40 =	vsel vm8, v3, v5  }
0xb5: {  	v41 =	vsel vm8, v2, v4;
	v7 =	vsel vm9, v1, v40  }
0xb6: {  	v10 =	vsel vm9, v0, v41;
	[tilespmem:v38+s17+$0x0] =	vst.idx.msk $0xffff, v7  }
0xb7: {  	[tilespmem:v39+s17+$0x0] =	vst.idx.msk $0xffff, v10  }
0xb8: {  	v7 =	vld [tilespmem:$0x130];
	_ =	sdelay $0x2  }
0xb9: {  	v42 =	vor.u32 $0x260, v6  }
0xba: {  	v43 =	vor.u32 $0x261, v6  }
0xbb: {  	vm10 =	veq.s32 v7, $0x1  }
0xbc: {  	vm11 =	veq.s32 v7, $0x0;
	v44 =	vsel vm10, v3, v5  }
0xbd: {  	v45 =	vsel vm10, v2, v4;
	v7 =	vsel vm11, v1, v44  }
0xbe: {  	v10 =	vsel vm11, v0, v45;
	[tilespmem:v42+s17+$0x0] =	vst.idx.msk $0xffff, v7  }
0xbf: {  	[tilespmem:v43+s17+$0x0] =	vst.idx.msk $0xffff, v10  }
0xc0: {  	v7 =	vld [tilespmem:$0x140];
	_ =	sdelay $0x2  }
0xc1: {  	v46 =	vor.u32 $0x280, v6  }
0xc2: {  	v47 =	vor.u32 $0x281, v6  }
0xc3: {  	vm12 =	veq.s32 v7, $0x1  }
0xc4: {  	vm13 =	veq.s32 v7, $0x0;
	v48 =	vsel vm12, v3, v5  }
0xc5: {  	v49 =	vsel vm12, v2, v4;
	v7 =	vsel vm13, v1, v48  }
0xc6: {  	v10 =	vsel vm13, v0, v49;
	[tilespmem:v46+s17+$0x0] =	vst.idx.msk $0xffff, v7  }
0xc7: {  	[tilespmem:v47+s17+$0x0] =	vst.idx.msk $0xffff, v10  }
0xc8: {  	v7 =	vld [tilespmem:$0x150];
	_ =	sdelay $0x2  }
0xc9: {  	v50 =	vor.u32 $0x2A0, v6  }
0xca: {  	v51 =	vor.u32 $0x2A1, v6  }
0xcb: {  	vm14 =	veq.s32 v7, $0x1  }
0xcc: {  	vm15 =	veq.s32 v7, $0x0;
	v52 =	vsel vm14, v3, v5  }
0xcd: {  	v53 =	vsel vm14, v2, v4;
	v7 =	vsel vm15, v1, v52  }
0xce: {  	v10 =	vsel vm15, v0, v53;
	[tilespmem:v50+s17+$0x0] =	vst.idx.msk $0xffff, v7  }
0xcf: {  	[tilespmem:v51+s17+$0x0] =	vst.idx.msk $0xffff, v10  }
0xd0: {  	v7 =	vld [tilespmem:$0x160];
	_ =	sdelay $0x2  }
0xd1: {  	v54 =	vor.u32 $0x2C0, v6  }
0xd2: {  	v55 =	vor.u32 $0x2C1, v6  }
0xd3: {  	vm4 =	veq.s32 v7, $0x1  }
0xd4: {  	vm5 =	veq.s32 v7, $0x0;
	v56 =	vsel vm4, v3, v5  }
0xd5: {  	v57 =	vsel vm4, v2, v4;
	v7 =	vsel vm5, v1, v56  }
0xd6: {  	v10 =	vsel vm5, v0, v57;
	[tilespmem:v54+s17+$0x0] =	vst.idx.msk $0xffff, v7  }
0xd7: {  	[tilespmem:v55+s17+$0x0] =	vst.idx.msk $0xffff, v10  }
0xd8: {  	v7 =	vld [tilespmem:$0x170];
	_ =	sdelay $0x2  }
0xd9: {  	v58 =	vor.u32 $0x2E0, v6  }
0xda: {  	v59 =	vor.u32 $0x2E1, v6  }
0xdb: {  	vm6 =	veq.s32 v7, $0x1  }
0xdc: {  	vm7 =	veq.s32 v7, $0x0;
	v60 =	vsel vm6, v3, v5  }
0xdd: {  	v61 =	vsel vm6, v2, v4;
	v7 =	vsel vm7, v1, v60  }
0xde: {  	v10 =	vsel vm7, v0, v61;
	[tilespmem:v58+s17+$0x0] =	vst.idx.msk $0xffff, v7  }
0xdf: {  	[tilespmem:v59+s17+$0x0] =	vst.idx.msk $0xffff, v10  }
0xe0: {  	v7 =	vld [tilespmem:$0x180];
	_ =	sdelay $0x2  }
0xe1: {  	v62 =	vor.u32 $0x300, v6  }
0xe2: {  	v63 =	vor.u32 $0x301, v6  }
0xe3: {  	vm8 =	veq.s32 v7, $0x1  }
0xe4: {  	vm9 =	veq.s32 v7, $0x0;
	v11 =	vsel vm8, v3, v5  }
0xe5: {  	v12 =	vsel vm8, v2, v4;
	v7 =	vsel vm9, v1, v11  }
0xe6: {  	v10 =	vsel vm9, v0, v12;
	[tilespmem:v62+s17+$0x0] =	vst.idx.msk $0xffff, v7  }
0xe7: {  	[tilespmem:v63+s17+$0x0] =	vst.idx.msk $0xffff, v10  }
0xe8: {  	v7 =	vld [tilespmem:$0x190];
	_ =	sdelay $0x2  }
0xe9: {  	v13 =	vor.u32 $0x320, v6  }
0xea: {  	v14 =	vor.u32 $0x321, v6  }
0xeb: {  	vm10 =	veq.s32 v7, $0x1  }
0xec: {  	vm11 =	veq.s32 v7, $0x0;
	v15 =	vsel vm10, v3, v5  }
0xed: {  	v16 =	vsel vm10, v2, v4;
	v7 =	vsel vm11, v1, v15  }
0xee: {  	v10 =	vsel vm11, v0, v16;
	[tilespmem:v13+s17+$0x0] =	vst.idx.msk $0xffff, v7  }
0xef: {  	[tilespmem:v14+s17+$0x0] =	vst.idx.msk $0xffff, v10  }
0xf0: {  	v7 =	vld [tilespmem:$0x1A0];
	_ =	sdelay $0x2  }
0xf1: {  	v17 =	vor.u32 $0x340, v6  }
0xf2: {  	v18 =	vor.u32 $0x341, v6  }
0xf3: {  	vm12 =	veq.s32 v7, $0x1  }
0xf4: {  	vm13 =	veq.s32 v7, $0x0;
	v19 =	vsel vm12, v3, v5  }
0xf5: {  	v20 =	vsel vm12, v2, v4;
	v7 =	vsel vm13, v1, v19  }
0xf6: {  	v10 =	vsel vm13, v0, v20;
	[tilespmem:v17+s17+$0x0] =	vst.idx.msk $0xffff, v7  }
0xf7: {  	[tilespmem:v18+s17+$0x0] =	vst.idx.msk $0xffff, v10  }
0xf8: {  	v7 =	vld [tilespmem:$0x1B0];
	_ =	sdelay $0x2  }
0xf9: {  	v21 =	vor.u32 $0x360, v6  }
0xfa: {  	v22 =	vor.u32 $0x361, v6  }
0xfb: {  	vm14 =	veq.s32 v7, $0x1  }
0xfc: {  	vm15 =	veq.s32 v7, $0x0;
	v23 =	vsel vm14, v3, v5  }
0xfd: {  	v24 =	vsel vm14, v2, v4;
	v7 =	vsel vm15, v1, v23  }
0xfe: {  	v10 =	vsel vm15, v0, v24;
	[tilespmem:v21+s17+$0x0] =	vst.idx.msk $0xffff, v7  }
0xff: {  	[tilespmem:v22+s17+$0x0] =	vst.idx.msk $0xffff, v10  }
0x100: {  	v7 =	vld [tilespmem:$0x1C0];
	_ =	sdelay $0x2  }
0x101: {  	v25 =	vor.u32 $0x380, v6  }
0x102: {  	v26 =	vor.u32 $0x381, v6  }
0x103: {  	vm4 =	veq.s32 v7, $0x1  }
0x104: {  	vm5 =	veq.s32 v7, $0x0;
	v27 =	vsel vm4, v3, v5  }
0x105: {  	v28 =	vsel vm4, v2, v4;
	v7 =	vsel vm5, v1, v27  }
0x106: {  	v10 =	vsel vm5, v0, v28;
	[tilespmem:v25+s17+$0x0] =	vst.idx.msk $0xffff, v7  }
0x107: {  	[tilespmem:v26+s17+$0x0] =	vst.idx.msk $0xffff, v10  }
0x108: {  	v7 =	vld [tilespmem:$0x1D0];
	_ =	sdelay $0x2  }
0x109: {  	v29 =	vor.u32 $0x3A0, v6  }
0x10a: {  	v30 =	vor.u32 $0x3A1, v6  }
0x10b: {  	vm6 =	veq.s32 v7, $0x1  }
0x10c: {  	vm7 =	veq.s32 v7, $0x0;
	v31 =	vsel vm6, v3, v5  }
0x10d: {  	v32 =	vsel vm6, v2, v4;
	v7 =	vsel vm7, v1, v31  }
0x10e: {  	v10 =	vsel vm7, v0, v32;
	[tilespmem:v29+s17+$0x0] =	vst.idx.msk $0xffff, v7  }
0x10f: {  	[tilespmem:v30+s17+$0x0] =	vst.idx.msk $0xffff, v10  }
0x110: {  	v7 =	vld [tilespmem:$0x1E0];
	_ =	sdelay $0x2  }
0x111: {  	v33 =	vor.u32 $0x3C0, v6  }
0x112: {  	v34 =	vor.u32 $0x3C1, v6  }
0x113: {  	vm8 =	veq.s32 v7, $0x1  }
0x114: {  	vm9 =	veq.s32 v7, $0x0;
	v35 =	vsel vm8, v3, v5  }
0x115: {  	v36 =	vsel vm8, v2, v4;
	v7 =	vsel vm9, v1, v35  }
0x116: {  	v10 =	vsel vm9, v0, v36;
	[tilespmem:v33+s17+$0x0] =	vst.idx.msk $0xffff, v7  }
0x117: {  	[tilespmem:v34+s17+$0x0] =	vst.idx.msk $0xffff, v10  }
0x118: {  	v7 =	vld [tilespmem:$0x1F0];
	_ =	sdelay $0x2  }
0x119: {  	v37 =	vor.u32 $0x3E0, v6  }
0x11a: {  	v38 =	vor.u32 $0x3E1, v6  }
0x11b: {  	vm10 =	veq.s32 v7, $0x1  }
0x11c: {  	vm11 =	veq.s32 v7, $0x0;
	v39 =	vsel vm10, v3, v5  }
0x11d: {  	v40 =	vsel vm10, v2, v4;
	v7 =	vsel vm11, v1, v39  }
0x11e: {  	v10 =	vsel vm11, v0, v40;
	[tilespmem:v37+s17+$0x0] =	vst.idx.msk $0xffff, v7  }
0x11f: {  	s21 =	simm.s32 $0xA00;
	s22 =	simm.s32 $0x4;
	s20 =	sadd.s32 $0x40, s4;
	[tilespmem:v38+s17+$0x0] =	vst.idx.msk $0xffff, v10  }
0x120: {  	[hbm4b:s20+s2] =	stream.linear.scatter [tilespmem:s21], [sflag:$0x7], $0x200, $0x38;
	[tilespmem:$0x1000] =	vst v63  }
0x121: {  	_ =	swait.ge [sflag:s22], $0x100  }
0x122: {  	[sflag:s22] =	ssyncset.done $0x0  }
0x123: {  	[sflag:s22] =	ssyncadd.s32 $0xFFFFFF00  }
0x124: {  	v41 =	vld [tilespmem:$0x200];
	_ =	sdelay $0x2  }
0x125: {  	v42 =	vor.u32 $0x400, v6  }
0x126: {  	v43 =	vor.u32 $0x401, v6  }
0x127: {  	vm12 =	veq.s32 v41, $0x1  }
0x128: {  	vm13 =	veq.s32 v41, $0x0;
	v44 =	vsel vm12, v3, v5  }
0x129: {  	v45 =	vsel vm12, v2, v4;
	v7 =	vsel vm13, v1, v44  }
0x12a: {  	v10 =	vsel vm13, v0, v45;
	[tilespmem:v42+s17+$0x0] =	vst.idx.msk $0xffff, v7  }
0x12b: {  	[tilespmem:v43+s17+$0x0] =	vst.idx.msk $0xffff, v10  }
0x12c: {  	v7 =	vld [tilespmem:$0x210];
	_ =	sdelay $0x2  }
0x12d: {  	v46 =	vor.u32 $0x420, v6  }
0x12e: {  	v47 =	vor.u32 $0x421, v6  }
0x12f: {  	vm14 =	veq.s32 v7, $0x1  }
0x130: {  	vm15 =	veq.s32 v7, $0x0;
	v48 =	vsel vm14, v3, v5  }
0x131: {  	v49 =	vsel vm14, v2, v4;
	v7 =	vsel vm15, v1, v48  }
0x132: {  	v10 =	vsel vm15, v0, v49;
	[tilespmem:v46+s17+$0x0] =	vst.idx.msk $0xffff, v7  }
0x133: {  	[tilespmem:v47+s17+$0x0] =	vst.idx.msk $0xffff, v10  }
0x134: {  	v7 =	vld [tilespmem:$0x220];
	_ =	sdelay $0x2  }
0x135: {  	v50 =	vor.u32 $0x440, v6  }
0x136: {  	v51 =	vor.u32 $0x441, v6  }
0x137: {  	vm4 =	veq.s32 v7, $0x1  }
0x138: {  	vm5 =	veq.s32 v7, $0x0;
	v52 =	vsel vm4, v3, v5  }
0x139: {  	v53 =	vsel vm4, v2, v4;
	v7 =	vsel vm5, v1, v52  }
0x13a: {  	v10 =	vsel vm5, v0, v53;
	[tilespmem:v50+s17+$0x0] =	vst.idx.msk $0xffff, v7  }
0x13b: {  	[tilespmem:v51+s17+$0x0] =	vst.idx.msk $0xffff, v10  }
0x13c: {  	v7 =	vld [tilespmem:$0x230];
	_ =	sdelay $0x2  }
0x13d: {  	v54 =	vor.u32 $0x460, v6  }
0x13e: {  	v55 =	vor.u32 $0x461, v6  }
0x13f: {  	vm6 =	veq.s32 v7, $0x1  }
0x140: {  	vm7 =	veq.s32 v7, $0x0;
	v56 =	vsel vm6, v3, v5  }
0x141: {  	v57 =	vsel vm6, v2, v4;
	v7 =	vsel vm7, v1, v56  }
0x142: {  	v10 =	vsel vm7, v0, v57;
	[tilespmem:v54+s17+$0x0] =	vst.idx.msk $0xffff, v7  }
0x143: {  	[tilespmem:v55+s17+$0x0] =	vst.idx.msk $0xffff, v10  }
0x144: {  	v7 =	vld [tilespmem:$0x240];
	_ =	sdelay $0x2  }
0x145: {  	v58 =	vor.u32 $0x480, v6  }
0x146: {  	v59 =	vor.u32 $0x481, v6  }
0x147: {  	vm8 =	veq.s32 v7, $0x1  }
0x148: {  	vm9 =	veq.s32 v7, $0x0;
	v60 =	vsel vm8, v3, v5  }
0x149: {  	v61 =	vsel vm8, v2, v4;
	v7 =	vsel vm9, v1, v60  }
0x14a: {  	v10 =	vsel vm9, v0, v61;
	[tilespmem:v58+s17+$0x0] =	vst.idx.msk $0xffff, v7  }
0x14b: {  	[tilespmem:v59+s17+$0x0] =	vst.idx.msk $0xffff, v10  }
0x14c: {  	v7 =	vld [tilespmem:$0x250];
	_ =	sdelay $0x2  }
0x14d: {  	v62 =	vor.u32 $0x4A0, v6  }
0x14e: {  	v63 =	vor.u32 $0x4A1, v6  }
0x14f: {  	vm10 =	veq.s32 v7, $0x1  }
0x150: {  	vm11 =	veq.s32 v7, $0x0;
	v11 =	vsel vm10, v3, v5  }
0x151: {  	v12 =	vsel vm10, v2, v4;
	v7 =	vsel vm11, v1, v11  }
0x152: {  	v10 =	vsel vm11, v0, v12;
	[tilespmem:v62+s17+$0x0] =	vst.idx.msk $0xffff, v7  }
0x153: {  	[tilespmem:v63+s17+$0x0] =	vst.idx.msk $0xffff, v10  }
0x154: {  	v7 =	vld [tilespmem:$0x260];
	_ =	sdelay $0x2  }
0x155: {  	v13 =	vor.u32 $0x4C0, v6  }
0x156: {  	v14 =	vor.u32 $0x4C1, v6  }
0x157: {  	vm12 =	veq.s32 v7, $0x1  }
0x158: {  	vm13 =	veq.s32 v7, $0x0;
	v15 =	vsel vm12, v3, v5  }
0x159: {  	v16 =	vsel vm12, v2, v4;
	v7 =	vsel vm13, v1, v15  }
0x15a: {  	v10 =	vsel vm13, v0, v16;
	[tilespmem:v13+s17+$0x0] =	vst.idx.msk $0xffff, v7  }
0x15b: {  	[tilespmem:v14+s17+$0x0] =	vst.idx.msk $0xffff, v10  }
0x15c: {  	v7 =	vld [tilespmem:$0x270];
	_ =	sdelay $0x2  }
0x15d: {  	v17 =	vor.u32 $0x4E0, v6  }
0x15e: {  	v18 =	vor.u32 $0x4E1, v6  }
0x15f: {  	vm14 =	veq.s32 v7, $0x1  }
0x160: {  	vm15 =	veq.s32 v7, $0x0;
	v19 =	vsel vm14, v3, v5  }
0x161: {  	v20 =	vsel vm14, v2, v4;
	v7 =	vsel vm15, v1, v19  }
0x162: {  	v10 =	vsel vm15, v0, v20;
	[tilespmem:v17+s17+$0x0] =	vst.idx.msk $0xffff, v7  }
0x163: {  	[tilespmem:v18+s17+$0x0] =	vst.idx.msk $0xffff, v10  }
0x164: {  	v7 =	vld [tilespmem:$0x280];
	_ =	sdelay $0x2  }
0x165: {  	v21 =	vor.u32 $0x500, v6  }
0x166: {  	v22 =	vor.u32 $0x501, v6  }
0x167: {  	vm4 =	veq.s32 v7, $0x1  }
0x168: {  	vm5 =	veq.s32 v7, $0x0;
	v23 =	vsel vm4, v3, v5  }
0x169: {  	v24 =	vsel vm4, v2, v4;
	v7 =	vsel vm5, v1, v23  }
0x16a: {  	v10 =	vsel vm5, v0, v24;
	[tilespmem:v21+s17+$0x0] =	vst.idx.msk $0xffff, v7  }
0x16b: {  	[tilespmem:v22+s17+$0x0] =	vst.idx.msk $0xffff, v10  }
0x16c: {  	v7 =	vld [tilespmem:$0x290];
	_ =	sdelay $0x2  }
0x16d: {  	v25 =	vor.u32 $0x520, v6  }
0x16e: {  	v26 =	vor.u32 $0x521, v6  }
0x16f: {  	vm6 =	veq.s32 v7, $0x1  }
0x170: {  	vm7 =	veq.s32 v7, $0x0;
	v27 =	vsel vm6, v3, v5  }
0x171: {  	v28 =	vsel vm6, v2, v4;
	v7 =	vsel vm7, v1, v27  }
0x172: {  	v10 =	vsel vm7, v0, v28;
	[tilespmem:v25+s17+$0x0] =	vst.idx.msk $0xffff, v7  }
0x173: {  	[tilespmem:v26+s17+$0x0] =	vst.idx.msk $0xffff, v10  }
0x174: {  	v7 =	vld [tilespmem:$0x2A0];
	_ =	sdelay $0x2  }
0x175: {  	v29 =	vor.u32 $0x540, v6  }
0x176: {  	v30 =	vor.u32 $0x541, v6  }
0x177: {  	vm8 =	veq.s32 v7, $0x1  }
0x178: {  	vm9 =	veq.s32 v7, $0x0;
	v31 =	vsel vm8, v3, v5  }
0x179: {  	v32 =	vsel vm8, v2, v4;
	v7 =	vsel vm9, v1, v31  }
0x17a: {  	v10 =	vsel vm9, v0, v32;
	[tilespmem:v29+s17+$0x0] =	vst.idx.msk $0xffff, v7  }
0x17b: {  	[tilespmem:v30+s17+$0x0] =	vst.idx.msk $0xffff, v10  }
0x17c: {  	v7 =	vld [tilespmem:$0x2B0];
	_ =	sdelay $0x2  }
0x17d: {  	v33 =	vor.u32 $0x560, v6  }
0x17e: {  	v34 =	vor.u32 $0x561, v6  }
0x17f: {  	vm10 =	veq.s32 v7, $0x1  }
0x180: {  	vm11 =	veq.s32 v7, $0x0;
	v35 =	vsel vm10, v3, v5  }
0x181: {  	v36 =	vsel vm10, v2, v4;
	v7 =	vsel vm11, v1, v35  }
0x182: {  	v10 =	vsel vm11, v0, v36;
	[tilespmem:v33+s17+$0x0] =	vst.idx.msk $0xffff, v7  }
0x183: {  	[tilespmem:v34+s17+$0x0] =	vst.idx.msk $0xffff, v10  }
0x184: {  	v7 =	vld [tilespmem:$0x2C0];
	_ =	sdelay $0x2  }
0x185: {  	v37 =	vor.u32 $0x580, v6  }
0x186: {  	v38 =	vor.u32 $0x581, v6  }
0x187: {  	vm12 =	veq.s32 v7, $0x1  }
0x188: {  	vm13 =	veq.s32 v7, $0x0;
	v39 =	vsel vm12, v3, v5  }
0x189: {  	v40 =	vsel vm12, v2, v4;
	v7 =	vsel vm13, v1, v39  }
0x18a: {  	v10 =	vsel vm13, v0, v40;
	[tilespmem:v37+s17+$0x0] =	vst.idx.msk $0xffff, v7  }
0x18b: {  	[tilespmem:v38+s17+$0x0] =	vst.idx.msk $0xffff, v10  }
0x18c: {  	v7 =	vld [tilespmem:$0x2D0];
	_ =	sdelay $0x2  }
0x18d: {  	v41 =	vor.u32 $0x5A0, v6  }
0x18e: {  	v42 =	vor.u32 $0x5A1, v6  }
0x18f: {  	vm14 =	veq.s32 v7, $0x1  }
0x190: {  	vm15 =	veq.s32 v7, $0x0;
	v43 =	vsel vm14, v3, v5  }
0x191: {  	v44 =	vsel vm14, v2, v4;
	v7 =	vsel vm15, v1, v43  }
0x192: {  	v10 =	vsel vm15, v0, v44;
	[tilespmem:v41+s17+$0x0] =	vst.idx.msk $0xffff, v7  }
0x193: {  	[tilespmem:v42+s17+$0x0] =	vst.idx.msk $0xffff, v10  }
0x194: {  	v7 =	vld [tilespmem:$0x2E0];
	_ =	sdelay $0x2  }
0x195: {  	v45 =	vor.u32 $0x5C0, v6  }
0x196: {  	v46 =	vor.u32 $0x5C1, v6  }
0x197: {  	vm4 =	veq.s32 v7, $0x1  }
0x198: {  	vm5 =	veq.s32 v7, $0x0;
	v47 =	vsel vm4, v3, v5  }
0x199: {  	v48 =	vsel vm4, v2, v4;
	v7 =	vsel vm5, v1, v47  }
0x19a: {  	v10 =	vsel vm5, v0, v48;
	[tilespmem:v45+s17+$0x0] =	vst.idx.msk $0xffff, v7  }
0x19b: {  	[tilespmem:v46+s17+$0x0] =	vst.idx.msk $0xffff, v10  }
0x19c: {  	v7 =	vld [tilespmem:$0x2F0];
	_ =	sdelay $0x2  }
0x19d: {  	v49 =	vor.u32 $0x5E0, v6  }
0x19e: {  	v50 =	vor.u32 $0x5E1, v6  }
0x19f: {  	vm6 =	veq.s32 v7, $0x1  }
0x1a0: {  	vm7 =	veq.s32 v7, $0x0;
	v51 =	vsel vm6, v3, v5  }
0x1a1: {  	v52 =	vsel vm6, v2, v4;
	v7 =	vsel vm7, v1, v51  }
0x1a2: {  	v10 =	vsel vm7, v0, v52;
	[tilespmem:v49+s17+$0x0] =	vst.idx.msk $0xffff, v7  }
0x1a3: {  	s24 =	simm.s32 $0xC00;
	s25 =	simm.s32 $0x5;
	s23 =	sadd.s32 $0x80, s4;
	[tilespmem:v50+s17+$0x0] =	vst.idx.msk $0xffff, v10  }
0x1a4: {  	[hbm4b:s23+s2] =	stream.linear.scatter [tilespmem:s24], [sflag:$0x8], $0x200, $0x38;
	[tilespmem:$0x1000] =	vst v63  }
0x1a5: {  	_ =	swait.ge [sflag:s25], $0x100  }
0x1a6: {  	[sflag:s25] =	ssyncset.done $0x0  }
0x1a7: {  	[sflag:s25] =	ssyncadd.s32 $0xFFFFFF00  }
0x1a8: {  	v53 =	vld [tilespmem:$0x300];
	_ =	sdelay $0x2  }
0x1a9: {  	v54 =	vor.u32 $0x600, v6  }
0x1aa: {  	v55 =	vor.u32 $0x601, v6  }
0x1ab: {  	vm8 =	veq.s32 v53, $0x1  }
0x1ac: {  	vm9 =	veq.s32 v53, $0x0;
	v56 =	vsel vm8, v3, v5  }
0x1ad: {  	v57 =	vsel vm8, v2, v4;
	v7 =	vsel vm9, v1, v56  }
0x1ae: {  	v10 =	vsel vm9, v0, v57;
	[tilespmem:v54+s17+$0x0] =	vst.idx.msk $0xffff, v7  }
0x1af: {  	[tilespmem:v55+s17+$0x0] =	vst.idx.msk $0xffff, v10  }
0x1b0: {  	v7 =	vld [tilespmem:$0x310];
	_ =	sdelay $0x2  }
0x1b1: {  	v58 =	vor.u32 $0x620, v6  }
0x1b2: {  	v59 =	vor.u32 $0x621, v6  }
0x1b3: {  	vm10 =	veq.s32 v7, $0x1  }
0x1b4: {  	vm11 =	veq.s32 v7, $0x0;
	v60 =	vsel vm10, v3, v5  }
0x1b5: {  	v61 =	vsel vm10, v2, v4;
	v7 =	vsel vm11, v1, v60  }
0x1b6: {  	v10 =	vsel vm11, v0, v61;
	[tilespmem:v58+s17+$0x0] =	vst.idx.msk $0xffff, v7  }
0x1b7: {  	[tilespmem:v59+s17+$0x0] =	vst.idx.msk $0xffff, v10  }
0x1b8: {  	v7 =	vld [tilespmem:$0x320];
	_ =	sdelay $0x2  }
0x1b9: {  	v62 =	vor.u32 $0x640, v6  }
0x1ba: {  	v63 =	vor.u32 $0x641, v6  }
0x1bb: {  	vm12 =	veq.s32 v7, $0x1  }
0x1bc: {  	vm13 =	veq.s32 v7, $0x0;
	v12 =	vsel vm12, v3, v5  }
0x1bd: {  	v13 =	vsel vm12, v2, v4;
	v7 =	vsel vm13, v1, v12  }
0x1be: {  	v10 =	vsel vm13, v0, v13;
	[tilespmem:v62+s17+$0x0] =	vst.idx.msk $0xffff, v7  }
0x1bf: {  	[tilespmem:v63+s17+$0x0] =	vst.idx.msk $0xffff, v10  }
0x1c0: {  	v7 =	vld [tilespmem:$0x330];
	_ =	sdelay $0x2  }
0x1c1: {  	v14 =	vor.u32 $0x660, v6  }
0x1c2: {  	v15 =	vor.u32 $0x661, v6  }
0x1c3: {  	vm14 =	veq.s32 v7, $0x1  }
0x1c4: {  	vm15 =	veq.s32 v7, $0x0;
	v16 =	vsel vm14, v3, v5  }
0x1c5: {  	v17 =	vsel vm14, v2, v4;
	v7 =	vsel vm15, v1, v16  }
0x1c6: {  	v10 =	vsel vm15, v0, v17;
	[tilespmem:v14+s17+$0x0] =	vst.idx.msk $0xffff, v7  }
0x1c7: {  	[tilespmem:v15+s17+$0x0] =	vst.idx.msk $0xffff, v10  }
0x1c8: {  	v7 =	vld [tilespmem:$0x340];
	_ =	sdelay $0x2  }
0x1c9: {  	v18 =	vor.u32 $0x680, v6  }
0x1ca: {  	v19 =	vor.u32 $0x681, v6  }
0x1cb: {  	vm4 =	veq.s32 v7, $0x1  }
0x1cc: {  	vm5 =	veq.s32 v7, $0x0;
	v20 =	vsel vm4, v3, v5  }
0x1cd: {  	v21 =	vsel vm4, v2, v4;
	v7 =	vsel vm5, v1, v20  }
0x1ce: {  	v10 =	vsel vm5, v0, v21;
	[tilespmem:v18+s17+$0x0] =	vst.idx.msk $0xffff, v7  }
0x1cf: {  	[tilespmem:v19+s17+$0x0] =	vst.idx.msk $0xffff, v10  }
0x1d0: {  	v7 =	vld [tilespmem:$0x350];
	_ =	sdelay $0x2  }
0x1d1: {  	v22 =	vor.u32 $0x6A0, v6  }
0x1d2: {  	v23 =	vor.u32 $0x6A1, v6  }
0x1d3: {  	vm6 =	veq.s32 v7, $0x1  }
0x1d4: {  	vm7 =	veq.s32 v7, $0x0;
	v24 =	vsel vm6, v3, v5  }
0x1d5: {  	v25 =	vsel vm6, v2, v4;
	v7 =	vsel vm7, v1, v24  }
0x1d6: {  	v10 =	vsel vm7, v0, v25;
	[tilespmem:v22+s17+$0x0] =	vst.idx.msk $0xffff, v7  }
0x1d7: {  	[tilespmem:v23+s17+$0x0] =	vst.idx.msk $0xffff, v10  }
0x1d8: {  	v7 =	vld [tilespmem:$0x360];
	_ =	sdelay $0x2  }
0x1d9: {  	v26 =	vor.u32 $0x6C0, v6  }
0x1da: {  	v27 =	vor.u32 $0x6C1, v6  }
0x1db: {  	vm8 =	veq.s32 v7, $0x1  }
0x1dc: {  	vm9 =	veq.s32 v7, $0x0;
	v28 =	vsel vm8, v3, v5  }
0x1dd: {  	v29 =	vsel vm8, v2, v4;
	v7 =	vsel vm9, v1, v28  }
0x1de: {  	v10 =	vsel vm9, v0, v29;
	[tilespmem:v26+s17+$0x0] =	vst.idx.msk $0xffff, v7  }
0x1df: {  	[tilespmem:v27+s17+$0x0] =	vst.idx.msk $0xffff, v10  }
0x1e0: {  	v7 =	vld [tilespmem:$0x370];
	_ =	sdelay $0x2  }
0x1e1: {  	v30 =	vor.u32 $0x6E0, v6  }
0x1e2: {  	v31 =	vor.u32 $0x6E1, v6  }
0x1e3: {  	vm10 =	veq.s32 v7, $0x1  }
0x1e4: {  	vm11 =	veq.s32 v7, $0x0;
	v32 =	vsel vm10, v3, v5  }
0x1e5: {  	v33 =	vsel vm10, v2, v4;
	v7 =	vsel vm11, v1, v32  }
0x1e6: {  	v10 =	vsel vm11, v0, v33;
	[tilespmem:v30+s17+$0x0] =	vst.idx.msk $0xffff, v7  }
0x1e7: {  	[tilespmem:v31+s17+$0x0] =	vst.idx.msk $0xffff, v10  }
0x1e8: {  	v7 =	vld [tilespmem:$0x380];
	_ =	sdelay $0x2  }
0x1e9: {  	v34 =	vor.u32 $0x700, v6  }
0x1ea: {  	v35 =	vor.u32 $0x701, v6  }
0x1eb: {  	vm12 =	veq.s32 v7, $0x1  }
0x1ec: {  	vm13 =	veq.s32 v7, $0x0;
	v36 =	vsel vm12, v3, v5  }
0x1ed: {  	v37 =	vsel vm12, v2, v4;
	v7 =	vsel vm13, v1, v36  }
0x1ee: {  	v10 =	vsel vm13, v0, v37;
	[tilespmem:v34+s17+$0x0] =	vst.idx.msk $0xffff, v7  }
0x1ef: {  	[tilespmem:v35+s17+$0x0] =	vst.idx.msk $0xffff, v10  }
0x1f0: {  	v7 =	vld [tilespmem:$0x390];
	_ =	sdelay $0x2  }
0x1f1: {  	v38 =	vor.u32 $0x720, v6  }
0x1f2: {  	v39 =	vor.u32 $0x721, v6  }
0x1f3: {  	vm14 =	veq.s32 v7, $0x1  }
0x1f4: {  	vm15 =	veq.s32 v7, $0x0;
	v40 =	vsel vm14, v3, v5  }
0x1f5: {  	v41 =	vsel vm14, v2, v4;
	v7 =	vsel vm15, v1, v40  }
0x1f6: {  	v10 =	vsel vm15, v0, v41;
	[tilespmem:v38+s17+$0x0] =	vst.idx.msk $0xffff, v7  }
0x1f7: {  	[tilespmem:v39+s17+$0x0] =	vst.idx.msk $0xffff, v10  }
0x1f8: {  	v7 =	vld [tilespmem:$0x3A0];
	_ =	sdelay $0x2  }
0x1f9: {  	v42 =	vor.u32 $0x740, v6  }
0x1fa: {  	v43 =	vor.u32 $0x741, v6  }
0x1fb: {  	vm4 =	veq.s32 v7, $0x1  }
0x1fc: {  	vm5 =	veq.s32 v7, $0x0;
	v44 =	vsel vm4, v3, v5  }
0x1fd: {  	v45 =	vsel vm4, v2, v4;
	v7 =	vsel vm5, v1, v44  }
0x1fe: {  	v10 =	vsel vm5, v0, v45;
	[tilespmem:v42+s17+$0x0] =	vst.idx.msk $0xffff, v7  }
0x1ff: {  	[tilespmem:v43+s17+$0x0] =	vst.idx.msk $0xffff, v10  }
0x200: {  	v7 =	vld [tilespmem:$0x3B0];
	_ =	sdelay $0x2  }
0x201: {  	v46 =	vor.u32 $0x760, v6  }
0x202: {  	v47 =	vor.u32 $0x761, v6  }
0x203: {  	vm6 =	veq.s32 v7, $0x1  }
0x204: {  	vm7 =	veq.s32 v7, $0x0;
	v48 =	vsel vm6, v3, v5  }
0x205: {  	v49 =	vsel vm6, v2, v4;
	v7 =	vsel vm7, v1, v48  }
0x206: {  	v10 =	vsel vm7, v0, v49;
	[tilespmem:v46+s17+$0x0] =	vst.idx.msk $0xffff, v7  }
0x207: {  	[tilespmem:v47+s17+$0x0] =	vst.idx.msk $0xffff, v10  }
0x208: {  	v7 =	vld [tilespmem:$0x3C0];
	_ =	sdelay $0x2  }
0x209: {  	v50 =	vor.u32 $0x780, v6  }
0x20a: {  	v51 =	vor.u32 $0x781, v6  }
0x20b: {  	vm8 =	veq.s32 v7, $0x1  }
0x20c: {  	vm9 =	veq.s32 v7, $0x0;
	v52 =	vsel vm8, v3, v5  }
0x20d: {  	v53 =	vsel vm8, v2, v4;
	v7 =	vsel vm9, v1, v52  }
0x20e: {  	v10 =	vsel vm9, v0, v53;
	[tilespmem:v50+s17+$0x0] =	vst.idx.msk $0xffff, v7  }
0x20f: {  	[tilespmem:v51+s17+$0x0] =	vst.idx.msk $0xffff, v10  }
0x210: {  	v7 =	vld [tilespmem:$0x3D0];
	_ =	sdelay $0x2  }
0x211: {  	v54 =	vor.u32 $0x7A0, v6  }
0x212: {  	v55 =	vor.u32 $0x7A1, v6  }
0x213: {  	vm10 =	veq.s32 v7, $0x1  }
0x214: {  	vm11 =	veq.s32 v7, $0x0;
	v56 =	vsel vm10, v3, v5  }
0x215: {  	v57 =	vsel vm10, v2, v4;
	v7 =	vsel vm11, v1, v56  }
0x216: {  	v10 =	vsel vm11, v0, v57;
	[tilespmem:v54+s17+$0x0] =	vst.idx.msk $0xffff, v7  }
0x217: {  	[tilespmem:v55+s17+$0x0] =	vst.idx.msk $0xffff, v10  }
0x218: {  	v7 =	vld [tilespmem:$0x3E0];
	_ =	sdelay $0x2  }
0x219: {  	v58 =	vor.u32 $0x7C0, v6  }
0x21a: {  	v59 =	vor.u32 $0x7C1, v6  }
0x21b: {  	vm12 =	veq.s32 v7, $0x1  }
0x21c: {  	vm13 =	veq.s32 v7, $0x0;
	v60 =	vsel vm12, v3, v5  }
0x21d: {  	v61 =	vsel vm12, v2, v4;
	v7 =	vsel vm13, v1, v60  }
0x21e: {  	v62 =	vsel vm13, v0, v61;
	[tilespmem:v58+s17+$0x0] =	vst.idx.msk $0xffff, v7  }
0x21f: {  	[tilespmem:v59+s17+$0x0] =	vst.idx.msk $0xffff, v62  }
0x220: {  	v7 =	vld [tilespmem:$0x3F0];
	_ =	sdelay $0x2  }
0x221: {  	v63 =	vor.u32 $0x7E0, v6  }
0x222: {  	v6 =	vor.u32 $0x7E1, v6  }
0x223: {  	vm14 =	veq.s32 v7, $0x1  }
0x224: {  	vm15 =	veq.s32 v7, $0x0;
	v3 =	vsel vm14, v3, v5  }
0x225: {  	v2 =	vsel vm14, v2, v4;
	v1 =	vsel vm15, v1, v3  }
0x226: {  	v0 =	vsel vm15, v0, v2;
	[tilespmem:v63+s17+$0x0] =	vst.idx.msk $0xffff, v1  }
0x227: {  	s26 =	simm.s32 $0xE00;
	s28 =	simm.s32 $0x6;
	s4 =	sadd.s32 $0xC0, s4;
	[tilespmem:v6+s17+$0x0] =	vst.idx.msk $0xffff, v0  }
0x228: {  	[hbm4b:s4+s2] =	stream.linear.scatter [tilespmem:s26], [sflag:$0x9], $0x200, $0x38;
	[tilespmem:$0x1000] =	vst v63  }
0x229: {  	_ =	swait.ge [sflag:s28], $0x200  }
0x22a: {  	[sflag:s28] =	ssyncset.done $0x0  }
0x22b: {  	s29 =	simm.s32 $0x7;
	[sflag:s28] =	ssyncadd.s32 $0xFFFFFE00  }
0x22c: {  	_ =	swait.ge [sflag:s29], $0x200  }
0x22d: {  	[sflag:s29] =	ssyncset.done $0x0  }
0x22e: {  	s30 =	simm.s32 $0x8;
	[sflag:s29] =	ssyncadd.s32 $0xFFFFFE00  }
0x22f: {  	_ =	swait.ge [sflag:s30], $0x200  }
0x230: {  	[sflag:s30] =	ssyncset.done $0x0  }
0x231: {  	s31 =	simm.s32 $0x9;
	[sflag:s30] =	ssyncadd.s32 $0xFFFFFE00  }
0x232: {  	_ =	swait.ge [sflag:s31], $0x200  }
0x233: {  	[sflag:s31] =	ssyncset.done $0x0  }
0x234: {  	[sflag:s31] =	ssyncadd.s32 $0xFFFFFE00  }
0x235: {  	_ =	sfence.sel $0x180000  }
0x236: {  	[bflag:$0x0] =	sbarrier.arrive $0xFFFF  }
0x237: {  	p0 =	sne.s32 s1, $0x0;
	_ =	strace $0x90000047  }
0x238: {  	s0 =	sadd.s32 @!p0 $0x100000, s0;
	[bflag:$0x2] =	sbarrier.arrive $0xFFFF  }
0x239: {  	[sflag:s0] =	ssyncadd.tile.s32 @!p0 $0x1;
	_ =	shalt  }
.Lfunc_end2:
_tile_overlayer_lowered:
.L_overlay_start_2:
0x23a: {  	(tag) =	ssettag $0x2  }
0x23b: {  	s0 =	rddreg [dreg:$0x0];
	s2 =	stileid.u32  }
0x23c: {  	s1 =	rddreg [dreg:$0x1];
	p0 =	sne.s32 s2, $0x0  }
0x23d: {  	s3 =	rddreg [dreg:$0x2];
	[bflag:$0x3] =	sbarrier.arrive $0xFFFF;
	s2 =	simm.s32 @!p0 $0x1C0A  }
0x23e: {  	[timem:s3], [sflag:s2] =	dma.local @!p0 [hbm:s0], s1  }
0x23f: {  	s0 =	simm.s32 @!p0 $0xA  }
0x240: {  	_ =	swait.ge @!p0 [sflag:s0], s1  }
0x241: {  	s1 =	ssub.s32 @!p0 $0x0, s1;
	[sflag:s0] =	ssyncset.done @!p0 $0x0  }
0x242: {  	[sflag:s0] =	ssyncadd.s32 @!p0 s1  }
0x243: {  	[bflag:$0x3] =	sbarrier.arrive $0xFFFF  }
0x244: {  	_ =	shalt  }

</sc_bundles>
